<compile_context>
chip_gen: v7x
topology: tpu7x:2x2x1
jax: 0.10.2.dev20260603
libtpu: 0.0.44.dev20260713+nightly
codegen_flags: <defaults>
</compile_context>

<pallas_src>
import functools

import jax
import jax.numpy as jnp
from jax import lax
from jax.experimental import pallas as pl
from jax.experimental.pallas import tpu as pltpu
from jax.experimental.pallas import tpu_sc as plsc

_N_USERS = 5000
_N_NODES = 10000
_D = 128
_E = 320000
_B = 1024

_NP = 10240
_NW = 32
_NS = 16
_CH = 128
_CPT = 80
_EPT = _CPT * _CH
_EPAD = _NW * _EPT
_RPS = _NP // _NS

_mesh = plsc.VectorSubcoreMesh(core_axis_name="c", subcore_axis_name="s")



@functools.partial(
    pl.kernel,
    mesh=_mesh,
    out_type=jax.ShapeDtypeStruct((2, _NP, _D), jnp.float32),
    scratch_types=[
        pltpu.VMEM((_CPT, _CH), jnp.int32),
        pltpu.VMEM((_CH, _D), jnp.float32),
        pltpu.VMEM((_CH, _D), jnp.float32),
        pltpu.VMEM_SHARED((_NP, _D), jnp.float32),
    ],
)
def _deg_kernel(dst_hbm, out_hbm, didx, zb, ob, acc):
    c = lax.axis_index("c")
    s = lax.axis_index("s")
    wid = c * _NS + s
    zeros16 = jnp.zeros((16,), jnp.float32)
    one0 = jnp.where(lax.iota(jnp.int32, 16) == 0, 1.0, 0.0)

    def fill(j, _):
        for k in range(_D // 16):
            zb[j, pl.ds(k * 16, 16)] = zeros16
            ob[j, pl.ds(k * 16, 16)] = one0 if k == 0 else zeros16
        return 0
    lax.fori_loop(0, _CH, fill, 0)

    for i in range(_RPS // _CH):
        pltpu.sync_copy(zb, acc.at[pl.ds(s * _RPS + i * _CH, _CH)])
    plsc.subcore_barrier()

    pltpu.sync_copy(dst_hbm.at[wid], didx)

    def chunk(j, _):
        pltpu.sync_copy(ob, acc.at[didx.at[j]], add=True)
        return 0
    lax.fori_loop(0, _CPT, chunk, 0)

    plsc.subcore_barrier()
    pltpu.sync_copy(acc.at[pl.ds(s * _RPS, _RPS)],
                    out_hbm.at[c, pl.ds(s * _RPS, _RPS)])


_CPT0 = 112
_CPT1 = 48
_NCH = _NS * (_CPT0 + _CPT1)
_EPAD2 = (_NCH + (_CPT0 - _CPT1)) * _CH


@functools.partial(
    pl.kernel,
    mesh=_mesh,
    out_type=jax.ShapeDtypeStruct((2, _NP, _D), jnp.float32),
    scratch_types=[
        pltpu.VMEM((_CPT0, _CH), jnp.int32),
        pltpu.VMEM((_CPT0, _CH), jnp.int32),
        pltpu.VMEM((_CH, _D), jnp.float32),
        pltpu.VMEM_SHARED((_NP, _D), jnp.float32),
        pltpu.SemaphoreType.DMA,
    ],
)
def _conv_kernel(tab_hbm, src_hbm, dst_hbm, out_hbm, sidx, didx, rows, acc, gsem):
    c = lax.axis_index("c")
    s = lax.axis_index("s")
    base = jnp.where(c == 0, s * _CPT0, _NS * _CPT0 + s * _CPT1)
    my_cpt = jnp.where(c == 0, _CPT0, _CPT1)
    zeros16 = jnp.zeros((16,), jnp.float32)

    def zrow(j, _):
        for k in range(_D // 16):
            rows[j, pl.ds(k * 16, 16)] = zeros16
        return 0
    lax.fori_loop(0, _CH, zrow, 0)
    for i in range(_RPS // _CH):
        pltpu.sync_copy(rows, acc.at[pl.ds(s * _RPS + i * _CH, _CH)])
    plsc.subcore_barrier()

    pltpu.sync_copy(src_hbm.at[pl.ds(base, _CPT0)], sidx)
    pltpu.sync_copy(dst_hbm.at[pl.ds(base, _CPT0)], didx)

    def chunk(j, _):
        @pl.when(j < my_cpt)
        def _():
            cp = pltpu.make_async_copy(tab_hbm.at[sidx.at[j]], rows, gsem)
            cp.start()
            cp.wait()
            pltpu.sync_copy(rows, acc.at[didx.at[j]], add=True)
        return 0
    lax.fori_loop(0, _CPT0, chunk, 0)

    plsc.subcore_barrier()
    pltpu.sync_copy(acc.at[pl.ds(s * _RPS, _RPS)],
                    out_hbm.at[c, pl.ds(s * _RPS, _RPS)])


@functools.partial(
    pl.kernel,
    mesh=_mesh,
    out_type=jax.ShapeDtypeStruct((_B, _D), jnp.float32),
    scratch_types=[
        pltpu.VMEM((_B // _NW,), jnp.int32),
        pltpu.VMEM((_B // _NW, _D), jnp.float32),
        pltpu.SemaphoreType.DMA,
    ],
)
def _ugather_kernel(tab_hbm, uidx_hbm, out_hbm, iv, rows, sem):
    c = lax.axis_index("c")
    s = lax.axis_index("s")
    wid = c * _NS + s
    bpw = _B // _NW
    pltpu.sync_copy(uidx_hbm.at[wid], iv)
    cp = pltpu.make_async_copy(tab_hbm.at[iv], rows, sem)
    cp.start()
    cp.wait()
    pltpu.sync_copy(rows, out_hbm.at[pl.ds(wid * bpw, bpw)])



_R = 1280
_G = _NP // _R


def _dinv_of(deg_ref):
    deg = deg_ref[0, :, 0:1] + deg_ref[1, :, 0:1]
    return lax.rsqrt(jnp.maximum(deg, 1.0))


def _prescale_body(deg_ref, x_ref, o_ref):
    o_ref[...] = x_ref[...] * _dinv_of(deg_ref)


def _layer1_body(deg_ref, p_ref, w_ref, o_ref):
    dinv = _dinv_of(deg_ref)
    y = (p_ref[0] + p_ref[1]) * dinv
    h = jnp.dot(y, w_ref[...], preferred_element_type=jnp.float32,
                precision=lax.Precision.HIGHEST)
    o_ref[...] = jnp.maximum(h, 0.0) * dinv


def _layer2_body(deg_ref, p_ref, w_ref, o_ref):
    dinv = _dinv_of(deg_ref)
    y = (p_ref[0] + p_ref[1]) * dinv
    o_ref[...] = jnp.dot(y, w_ref[...], preferred_element_type=jnp.float32,
                         precision=lax.Precision.HIGHEST)


_deg_spec = pl.BlockSpec((2, _R, _D), lambda i: (0, i, 0))
_p_spec = pl.BlockSpec((2, _R, _D), lambda i: (0, i, 0))
_row_spec = pl.BlockSpec((_R, _D), lambda i: (i, 0))
_w_spec = pl.BlockSpec((_D, _D), lambda i: (0, 0))
_out_shape = jax.ShapeDtypeStruct((_NP, _D), jnp.float32)


def _prescale(degp, xp):
    return pl.pallas_call(
        _prescale_body, grid=(_G,),
        in_specs=[_deg_spec, _row_spec],
        out_specs=_row_spec, out_shape=_out_shape,
    )(degp, xp)


def _layer(body, degp, parts, w):
    return pl.pallas_call(
        body, grid=(_G,),
        in_specs=[_deg_spec, _p_spec, _w_spec],
        out_specs=_row_spec, out_shape=_out_shape,
    )(degp, parts, w)



def kernel(user_idx, edge_index, x, W1, W2):
    src = edge_index[0].astype(jnp.int32)
    dst = edge_index[1].astype(jnp.int32)
    pad = _EPAD - _E
    dstp = jnp.concatenate(
        [dst, jnp.full((pad,), _N_NODES, jnp.int32)]).reshape(_NW, _CPT, _CH)
    pad2 = _EPAD2 - _E
    src2 = jnp.concatenate(
        [src, jnp.full((pad2,), _N_NODES, jnp.int32)]).reshape(-1, _CH)
    dst2 = jnp.concatenate(
        [dst, jnp.full((pad2,), _N_NODES, jnp.int32)]).reshape(-1, _CH)
    xp = jnp.pad(x, ((0, _NP - _N_NODES), (0, 0)))

    degp = _deg_kernel(dstp)
    xs = _prescale(degp, xp)
    p1 = _conv_kernel(xs, src2, dst2)
    h1s = _layer(_layer1_body, degp, p1, W1)
    p2 = _conv_kernel(h1s, src2, dst2)
    out = _layer(_layer2_body, degp, p2, W2)

    ue = _ugather_kernel(out, user_idx.astype(jnp.int32).reshape(_NW, _B // _NW))
    return ue, out[_N_USERS:_N_NODES]

# --- scband reference (transcript-rebuilt; emitter-appended) ---
"""Pipeline reference for scband-ord-rec-79860621902074 (READ-ONLY COPY).

The authoritative reference and input builder live on the scoring server;
editing this copy changes nothing except your own understanding.
"""

import jax, jax.numpy as jnp
import numpy as np

NUM_USERS = 5000
NUM_ITEMS = 5000
NUM_NODES = NUM_USERS + NUM_ITEMS
IN_CH = 128
N_EDGES = 320000
BATCH = 1024


def setup_inputs(seed: int = 0) -> dict:
    key = jax.random.key(seed)
    k1, k2, k3, k4, k5 = jax.random.split(key, 5)
    user_idx = jax.random.randint(k1, (BATCH,), 0, NUM_USERS, dtype=jnp.int64 if jax.config.jax_enable_x64 else jnp.int32)
    edge_index = jax.random.randint(k2, (2, N_EDGES), 0, NUM_NODES, dtype=jnp.int64 if jax.config.jax_enable_x64 else jnp.int32)
    # node embedding table (nn.Parameter with xavier_uniform_ init)
    xlim = float(np.sqrt(6.0 / (NUM_NODES + IN_CH)))
    x = jax.random.uniform(k3, (NUM_NODES, IN_CH), minval=-xlim, maxval=xlim, dtype=jnp.float32)
    # GONN layer weights (2-layer GCN-style message passing)
    wlim = float(np.sqrt(6.0 / (IN_CH + IN_CH)))
    W1 = jax.random.uniform(k4, (IN_CH, IN_CH), minval=-wlim, maxval=wlim, dtype=jnp.float32)
    W2 = jax.random.uniform(k5, (IN_CH, IN_CH), minval=-wlim, maxval=wlim, dtype=jnp.float32)
    return {"user_idx": user_idx, "edge_index": edge_index, "x": x, "W1": W1, "W2": W2}


def _gcn_conv(h, src, dst, W, n_nodes):
    # symmetric-normalized message passing: D^-1/2 A D^-1/2 H W
    ones = jnp.ones(src.shape[0], dtype=h.dtype)
    deg = jax.ops.segment_sum(ones, dst, num_segments=n_nodes)
    deg = jnp.clip(deg, 1.0, None)
    dinv = jax.lax.rsqrt(deg)
    norm = dinv[src] * dinv[dst]
    msgs = jnp.take(h, src, axis=0) * norm[:, None]
    agg = jax.ops.segment_sum(msgs, dst, num_segments=n_nodes)
    return agg @ W


def reference(user_idx, edge_index, x, W1, W2):
    src = edge_index[0]
    dst = edge_index[1]
    # GONN forward: 2-layer graph message passing over all user+item nodes
    h = _gcn_conv(x, src, dst, W1, NUM_NODES)
    h = jax.nn.relu(h)
    all_embedding = _gcn_conv(h, src, dst, W2, NUM_NODES)
    user_embedding = jnp.take(all_embedding, user_idx, axis=0)
    item_embedding = all_embedding[NUM_USERS:]
    return (user_embedding, item_embedding)

if __name__ == "__main__":
    import jax
    _d = setup_inputs()
    print(jax.jit(kernel)(*tuple(_d.values())))

</pallas_src>

<mosaic_0001>
#map = affine_map<(d0, d1) -> (0, 0, 0)>
module attributes {stable_mosaic.version = 14 : i64} {
  func.func @_deg_kernel(%arg0: i32, %arg1: i32, %arg2: memref<32x80x128xi32, #tpu.memory_space<hbm>>, %arg3: memref<2x10240x128xf32, #tpu.memory_space<hbm>>, %arg4: memref<80x128xi32, #tpu.memory_space<vmem>>, %arg5: memref<128x128xf32, #tpu.memory_space<vmem>>, %arg6: memref<128x128xf32, #tpu.memory_space<vmem>>, %arg7: memref<10240x128xf32, #tpu.memory_space<vmem_shared>>) attributes {dimension_semantics = [#tpu.dimension_semantics<core_parallel>, #tpu.dimension_semantics<subcore_parallel>], iteration_bounds = array<i64: 2, 16>, scalar_prefetch = 0 : i64, scratch_operands = 4 : i64, tpu.core_type = #tpu.core_type<sc_vector_subcore>, window_params = [{transform_indices = #map}, {transform_indices = #map}]} {
    %mul3A = arith.constant 16 : i32
    %mul3A_0 = arith.muli %arg0, %mul3A : i32
    %add3A = arith.addi %mul3A_0, %arg1 : i32
    %broadcast_in_dim3A = arith.constant 0.000000e+00 : f32
    %broadcast_in_dim3A_1 = vector.broadcast %broadcast_in_dim3A : f32 to vector<16xf32>
    %iota3A = tpu.iota {dimensions = array<i32: 0>} : vector<16xi32>
    %eq3A = arith.constant 0 : i32
    %eq3A_2 = vector.broadcast %eq3A : i32 to vector<16xi32>
    %eq3A_3 = arith.cmpi eq, %iota3A, %eq3A_2 : vector<16xi32>
    %jit3A = arith.constant 1.000000e+00 : f32
    %jit3A_4 = arith.constant 0.000000e+00 : f32
    %broadcast_in_dim3A_5 = vector.broadcast %jit3A : f32 to vector<16xf32>
    %broadcast_in_dim3A_6 = vector.broadcast %jit3A_4 : f32 to vector<16xf32>
    %select_n3A = arith.select %eq3A_3, %broadcast_in_dim3A_5, %broadcast_in_dim3A_6 : vector<16xi1>, vector<16xf32>
    %scan3A = arith.constant 0 : i32
    %scan3A_7 = arith.constant 0 : i32
    %scan3A_8 = arith.constant 128 : i32
    %scan3A_9 = arith.addi %scan3A_7, %scan3A_8 : i32
    %scan3A_10 = arith.constant 1 : i32
    %scan3A_11 = scf.for %scan3A_45 = %scan3A_7 to %scan3A_9 step %scan3A_10 iter_args(%scan3A_46 = %scan3A) -> (i32)  : i32 {
      %swap3A = arith.index_cast %scan3A_45 : i32 to index
      %swap3A_47 = arith.constant 0 : index
      %swap3A_48 = tpu.vector_load %arg5[%swap3A, %swap3A_47] {strides = array<i32>} : memref<128x128xf32, #tpu.memory_space<vmem>>, vector<1x16xf32>,
      %swap3A_49 = vector.shape_cast %swap3A_48 : vector<1x16xf32> to vector<16xf32>
      %swap3A_50 = vector.shape_cast %broadcast_in_dim3A_1 : vector<16xf32> to vector<1x16xf32>
      tpu.vector_store %arg5[%swap3A, %swap3A_47], %swap3A_50 {strides = array<i32>} : memref<128x128xf32, #tpu.memory_space<vmem>>, vector<1x16xf32>,
      %swap3A_51 = arith.index_cast %scan3A_45 : i32 to index
      %swap3A_52 = arith.constant 0 : index
      %swap3A_53 = tpu.vector_load %arg6[%swap3A_51, %swap3A_52] {strides = array<i32>} : memref<128x128xf32, #tpu.memory_space<vmem>>, vector<1x16xf32>,
      %swap3A_54 = vector.shape_cast %swap3A_53 : vector<1x16xf32> to vector<16xf32>
      %swap3A_55 = vector.shape_cast %select_n3A : vector<16xf32> to vector<1x16xf32>
      tpu.vector_store %arg6[%swap3A_51, %swap3A_52], %swap3A_55 {strides = array<i32>} : memref<128x128xf32, #tpu.memory_space<vmem>>, vector<1x16xf32>,
      %swap3A_56 = arith.index_cast %scan3A_45 : i32 to index
      %swap3A_57 = arith.constant 16 : index
      %swap3A_58 = tpu.vector_load %arg5[%swap3A_56, %swap3A_57] {strides = array<i32>} : memref<128x128xf32, #tpu.memory_space<vmem>>, vector<1x16xf32>,
      %swap3A_59 = vector.shape_cast %swap3A_58 : vector<1x16xf32> to vector<16xf32>
      %swap3A_60 = vector.shape_cast %broadcast_in_dim3A_1 : vector<16xf32> to vector<1x16xf32>
      tpu.vector_store %arg5[%swap3A_56, %swap3A_57], %swap3A_60 {strides = array<i32>} : memref<128x128xf32, #tpu.memory_space<vmem>>, vector<1x16xf32>,
      %swap3A_61 = arith.index_cast %scan3A_45 : i32 to index
      %swap3A_62 = arith.constant 16 : index
      %swap3A_63 = tpu.vector_load %arg6[%swap3A_61, %swap3A_62] {strides = array<i32>} : memref<128x128xf32, #tpu.memory_space<vmem>>, vector<1x16xf32>,
      %swap3A_64 = vector.shape_cast %swap3A_63 : vector<1x16xf32> to vector<16xf32>
      %swap3A_65 = vector.shape_cast %broadcast_in_dim3A_1 : vector<16xf32> to vector<1x16xf32>
      tpu.vector_store %arg6[%swap3A_61, %swap3A_62], %swap3A_65 {strides = array<i32>} : memref<128x128xf32, #tpu.memory_space<vmem>>, vector<1x16xf32>,
      %swap3A_66 = arith.index_cast %scan3A_45 : i32 to index
      %swap3A_67 = arith.constant 32 : index
      %swap3A_68 = tpu.vector_load %arg5[%swap3A_66, %swap3A_67] {strides = array<i32>} : memref<128x128xf32, #tpu.memory_space<vmem>>, vector<1x16xf32>,
      %swap3A_69 = vector.shape_cast %swap3A_68 : vector<1x16xf32> to vector<16xf32>
      %swap3A_70 = vector.shape_cast %broadcast_in_dim3A_1 : vector<16xf32> to vector<1x16xf32>
      tpu.vector_store %arg5[%swap3A_66, %swap3A_67], %swap3A_70 {strides = array<i32>} : memref<128x128xf32, #tpu.memory_space<vmem>>, vector<1x16xf32>,
      %swap3A_71 = arith.index_cast %scan3A_45 : i32 to index
      %swap3A_72 = arith.constant 32 : index
      %swap3A_73 = tpu.vector_load %arg6[%swap3A_71, %swap3A_72] {strides = array<i32>} : memref<128x128xf32, #tpu.memory_space<vmem>>, vector<1x16xf32>,
      %swap3A_74 = vector.shape_cast %swap3A_73 : vector<1x16xf32> to vector<16xf32>
      %swap3A_75 = vector.shape_cast %broadcast_in_dim3A_1 : vector<16xf32> to vector<1x16xf32>
      tpu.vector_store %arg6[%swap3A_71, %swap3A_72], %swap3A_75 {strides = array<i32>} : memref<128x128xf32, #tpu.memory_space<vmem>>, vector<1x16xf32>,
      %swap3A_76 = arith.index_cast %scan3A_45 : i32 to index
      %swap3A_77 = arith.constant 48 : index
      %swap3A_78 = tpu.vector_load %arg5[%swap3A_76, %swap3A_77] {strides = array<i32>} : memref<128x128xf32, #tpu.memory_space<vmem>>, vector<1x16xf32>,
      %swap3A_79 = vector.shape_cast %swap3A_78 : vector<1x16xf32> to vector<16xf32>
      %swap3A_80 = vector.shape_cast %broadcast_in_dim3A_1 : vector<16xf32> to vector<1x16xf32>
      tpu.vector_store %arg5[%swap3A_76, %swap3A_77], %swap3A_80 {strides = array<i32>} : memref<128x128xf32, #tpu.memory_space<vmem>>, vector<1x16xf32>,
      %swap3A_81 = arith.index_cast %scan3A_45 : i32 to index
      %swap3A_82 = arith.constant 48 : index
      %swap3A_83 = tpu.vector_load %arg6[%swap3A_81, %swap3A_82] {strides = array<i32>} : memref<128x128xf32, #tpu.memory_space<vmem>>, vector<1x16xf32>,
      %swap3A_84 = vector.shape_cast %swap3A_83 : vector<1x16xf32> to vector<16xf32>
      %swap3A_85 = vector.shape_cast %broadcast_in_dim3A_1 : vector<16xf32> to vector<1x16xf32>
      tpu.vector_store %arg6[%swap3A_81, %swap3A_82], %swap3A_85 {strides = array<i32>} : memref<128x128xf32, #tpu.memory_space<vmem>>, vector<1x16xf32>,
      %swap3A_86 = arith.index_cast %scan3A_45 : i32 to index
      %swap3A_87 = arith.constant 64 : index
      %swap3A_88 = tpu.vector_load %arg5[%swap3A_86, %swap3A_87] {strides = array<i32>} : memref<128x128xf32, #tpu.memory_space<vmem>>, vector<1x16xf32>,
      %swap3A_89 = vector.shape_cast %swap3A_88 : vector<1x16xf32> to vector<16xf32>
      %swap3A_90 = vector.shape_cast %broadcast_in_dim3A_1 : vector<16xf32> to vector<1x16xf32>
      tpu.vector_store %arg5[%swap3A_86, %swap3A_87], %swap3A_90 {strides = array<i32>} : memref<128x128xf32, #tpu.memory_space<vmem>>, vector<1x16xf32>,
      %swap3A_91 = arith.index_cast %scan3A_45 : i32 to index
      %swap3A_92 = arith.constant 64 : index
      %swap3A_93 = tpu.vector_load %arg6[%swap3A_91, %swap3A_92] {strides = array<i32>} : memref<128x128xf32, #tpu.memory_space<vmem>>, vector<1x16xf32>,
      %swap3A_94 = vector.shape_cast %swap3A_93 : vector<1x16xf32> to vector<16xf32>
      %swap3A_95 = vector.shape_cast %broadcast_in_dim3A_1 : vector<16xf32> to vector<1x16xf32>
      tpu.vector_store %arg6[%swap3A_91, %swap3A_92], %swap3A_95 {strides = array<i32>} : memref<128x128xf32, #tpu.memory_space<vmem>>, vector<1x16xf32>,
      %swap3A_96 = arith.index_cast %scan3A_45 : i32 to index
      %swap3A_97 = arith.constant 80 : index
      %swap3A_98 = tpu.vector_load %arg5[%swap3A_96, %swap3A_97] {strides = array<i32>} : memref<128x128xf32, #tpu.memory_space<vmem>>, vector<1x16xf32>,
      %swap3A_99 = vector.shape_cast %swap3A_98 : vector<1x16xf32> to vector<16xf32>
      %swap3A_100 = vector.shape_cast %broadcast_in_dim3A_1 : vector<16xf32> to vector<1x16xf32>
      tpu.vector_store %arg5[%swap3A_96, %swap3A_97], %swap3A_100 {strides = array<i32>} : memref<128x128xf32, #tpu.memory_space<vmem>>, vector<1x16xf32>,
      %swap3A_101 = arith.index_cast %scan3A_45 : i32 to index
      %swap3A_102 = arith.constant 80 : index
      %swap3A_103 = tpu.vector_load %arg6[%swap3A_101, %swap3A_102] {strides = array<i32>} : memref<128x128xf32, #tpu.memory_space<vmem>>, vector<1x16xf32>,
      %swap3A_104 = vector.shape_cast %swap3A_103 : vector<1x16xf32> to vector<16xf32>
      %swap3A_105 = vector.shape_cast %broadcast_in_dim3A_1 : vector<16xf32> to vector<1x16xf32>
      tpu.vector_store %arg6[%swap3A_101, %swap3A_102], %swap3A_105 {strides = array<i32>} : memref<128x128xf32, #tpu.memory_space<vmem>>, vector<1x16xf32>,
      %swap3A_106 = arith.index_cast %scan3A_45 : i32 to index
      %swap3A_107 = arith.constant 96 : index
      %swap3A_108 = tpu.vector_load %arg5[%swap3A_106, %swap3A_107] {strides = array<i32>} : memref<128x128xf32, #tpu.memory_space<vmem>>, vector<1x16xf32>,
      %swap3A_109 = vector.shape_cast %swap3A_108 : vector<1x16xf32> to vector<16xf32>
      %swap3A_110 = vector.shape_cast %broadcast_in_dim3A_1 : vector<16xf32> to vector<1x16xf32>
      tpu.vector_store %arg5[%swap3A_106, %swap3A_107], %swap3A_110 {strides = array<i32>} : memref<128x128xf32, #tpu.memory_space<vmem>>, vector<1x16xf32>,
      %swap3A_111 = arith.index_cast %scan3A_45 : i32 to index
      %swap3A_112 = arith.constant 96 : index
      %swap3A_113 = tpu.vector_load %arg6[%swap3A_111, %swap3A_112] {strides = array<i32>} : memref<128x128xf32, #tpu.memory_space<vmem>>, vector<1x16xf32>,
      %swap3A_114 = vector.shape_cast %swap3A_113 : vector<1x16xf32> to vector<16xf32>
      %swap3A_115 = vector.shape_cast %broadcast_in_dim3A_1 : vector<16xf32> to vector<1x16xf32>
      tpu.vector_store %arg6[%swap3A_111, %swap3A_112], %swap3A_115 {strides = array<i32>} : memref<128x128xf32, #tpu.memory_space<vmem>>, vector<1x16xf32>,
      %swap3A_116 = arith.index_cast %scan3A_45 : i32 to index
      %swap3A_117 = arith.constant 112 : index
      %swap3A_118 = tpu.vector_load %arg5[%swap3A_116, %swap3A_117] {strides = array<i32>} : memref<128x128xf32, #tpu.memory_space<vmem>>, vector<1x16xf32>,
      %swap3A_119 = vector.shape_cast %swap3A_118 : vector<1x16xf32> to vector<16xf32>
      %swap3A_120 = vector.shape_cast %broadcast_in_dim3A_1 : vector<16xf32> to vector<1x16xf32>
      tpu.vector_store %arg5[%swap3A_116, %swap3A_117], %swap3A_120 {strides = array<i32>} : memref<128x128xf32, #tpu.memory_space<vmem>>, vector<1x16xf32>,
      %swap3A_121 = arith.index_cast %scan3A_45 : i32 to index
      %swap3A_122 = arith.constant 112 : index
      %swap3A_123 = tpu.vector_load %arg6[%swap3A_121, %swap3A_122] {strides = array<i32>} : memref<128x128xf32, #tpu.memory_space<vmem>>, vector<1x16xf32>,
      %swap3A_124 = vector.shape_cast %swap3A_123 : vector<1x16xf32> to vector<16xf32>
      %swap3A_125 = vector.shape_cast %broadcast_in_dim3A_1 : vector<16xf32> to vector<1x16xf32>
      tpu.vector_store %arg6[%swap3A_121, %swap3A_122], %swap3A_125 {strides = array<i32>} : memref<128x128xf32, #tpu.memory_space<vmem>>, vector<1x16xf32>,
      %scan3A_126 = arith.constant 0 : i32
      scf.yield %scan3A_126 : i32
    }
    %scan3A_12 = arith.constant 128 : i32
    %mul3A_13 = arith.constant 640 : i32
    %mul3A_14 = arith.muli %arg1, %mul3A_13 : i32
    %add3A_15 = arith.constant 0 : i32
    %add3A_16 = arith.addi %mul3A_14, %add3A_15 : i32
    "tpu.region"() ({
      %run_scoped3A = tpu.sem_alloc : memref<!tpu.dma_semaphore, #tpu.memory_space<semaphore_mem>>
      %dma_start3A = arith.constant 0 : i32
      %dma_start3A_45 = tpu.memref_slice %arg7[%add3A_16, %dma_start3A] : memref<10240x128xf32, #tpu.memory_space<vmem_shared>> -> memref<128x128xf32, #tpu.memory_space<vmem_shared>>
      %dma_start3A_46 = arith.constant 0 : i32
      %dma_start3A_47 = tpu.memref_slice %arg7[%add3A_16, %dma_start3A_46] : memref<10240x128xf32, #tpu.memory_space<vmem_shared>> -> memref<128x128xf32, #tpu.memory_space<vmem_shared>>
      tpu.enqueue_dma source(%arg5 : memref<128x128xf32, #tpu.memory_space<vmem>>) target(%dma_start3A_47 : memref<128x128xf32, #tpu.memory_space<vmem_shared>>) target_semaphore(%run_scoped3A : memref<!tpu.dma_semaphore, #tpu.memory_space<semaphore_mem>>)
      %dma_wait3A = arith.constant 0 : i32
      %dma_wait3A_48 = tpu.memref_slice %arg7[%add3A_16, %dma_wait3A] : memref<10240x128xf32, #tpu.memory_space<vmem_shared>> -> memref<128x128xf32, #tpu.memory_space<vmem_shared>>
      %dma_wait3A_49 = arith.constant 0 : i32
      %dma_wait3A_50 = tpu.memref_slice %arg7[%add3A_16, %dma_wait3A_49] : memref<10240x128xf32, #tpu.memory_space<vmem_shared>> -> memref<128x128xf32, #tpu.memory_space<vmem_shared>>
      tpu.wait_dma2 semaphore(%run_scoped3A : memref<!tpu.dma_semaphore, #tpu.memory_space<semaphore_mem>>) src(%arg5 : memref<128x128xf32, #tpu.memory_space<vmem>>) dst(%dma_wait3A_50 : memref<128x128xf32, #tpu.memory_space<vmem_shared>>)
      tpu.yield
    }) : () -> ()
    %mul3A_17 = arith.constant 640 : i32
    %mul3A_18 = arith.muli %arg1, %mul3A_17 : i32
    %add3A_19 = arith.constant 128 : i32
    %add3A_20 = arith.addi %mul3A_18, %add3A_19 : i32
    "tpu.region"() ({
      %run_scoped3A = tpu.sem_alloc : memref<!tpu.dma_semaphore, #tpu.memory_space<semaphore_mem>>
      %dma_start3A = arith.constant 0 : i32
      %dma_start3A_45 = tpu.memref_slice %arg7[%add3A_20, %dma_start3A] : memref<10240x128xf32, #tpu.memory_space<vmem_shared>> -> memref<128x128xf32, #tpu.memory_space<vmem_shared>>
      %dma_start3A_46 = arith.constant 0 : i32
      %dma_start3A_47 = tpu.memref_slice %arg7[%add3A_20, %dma_start3A_46] : memref<10240x128xf32, #tpu.memory_space<vmem_shared>> -> memref<128x128xf32, #tpu.memory_space<vmem_shared>>
      tpu.enqueue_dma source(%arg5 : memref<128x128xf32, #tpu.memory_space<vmem>>) target(%dma_start3A_47 : memref<128x128xf32, #tpu.memory_space<vmem_shared>>) target_semaphore(%run_scoped3A : memref<!tpu.dma_semaphore, #tpu.memory_space<semaphore_mem>>)
      %dma_wait3A = arith.constant 0 : i32
      %dma_wait3A_48 = tpu.memref_slice %arg7[%add3A_20, %dma_wait3A] : memref<10240x128xf32, #tpu.memory_space<vmem_shared>> -> memref<128x128xf32, #tpu.memory_space<vmem_shared>>
      %dma_wait3A_49 = arith.constant 0 : i32
      %dma_wait3A_50 = tpu.memref_slice %arg7[%add3A_20, %dma_wait3A_49] : memref<10240x128xf32, #tpu.memory_space<vmem_shared>> -> memref<128x128xf32, #tpu.memory_space<vmem_shared>>
      tpu.wait_dma2 semaphore(%run_scoped3A : memref<!tpu.dma_semaphore, #tpu.memory_space<semaphore_mem>>) src(%arg5 : memref<128x128xf32, #tpu.memory_space<vmem>>) dst(%dma_wait3A_50 : memref<128x128xf32, #tpu.memory_space<vmem_shared>>)
      tpu.yield
    }) : () -> ()
    %mul3A_21 = arith.constant 640 : i32
    %mul3A_22 = arith.muli %arg1, %mul3A_21 : i32
    %add3A_23 = arith.constant 256 : i32
    %add3A_24 = arith.addi %mul3A_22, %add3A_23 : i32
    "tpu.region"() ({
      %run_scoped3A = tpu.sem_alloc : memref<!tpu.dma_semaphore, #tpu.memory_space<semaphore_mem>>
      %dma_start3A = arith.constant 0 : i32
      %dma_start3A_45 = tpu.memref_slice %arg7[%add3A_24, %dma_start3A] : memref<10240x128xf32, #tpu.memory_space<vmem_shared>> -> memref<128x128xf32, #tpu.memory_space<vmem_shared>>
      %dma_start3A_46 = arith.constant 0 : i32
      %dma_start3A_47 = tpu.memref_slice %arg7[%add3A_24, %dma_start3A_46] : memref<10240x128xf32, #tpu.memory_space<vmem_shared>> -> memref<128x128xf32, #tpu.memory_space<vmem_shared>>
      tpu.enqueue_dma source(%arg5 : memref<128x128xf32, #tpu.memory_space<vmem>>) target(%dma_start3A_47 : memref<128x128xf32, #tpu.memory_space<vmem_shared>>) target_semaphore(%run_scoped3A : memref<!tpu.dma_semaphore, #tpu.memory_space<semaphore_mem>>)
      %dma_wait3A = arith.constant 0 : i32
      %dma_wait3A_48 = tpu.memref_slice %arg7[%add3A_24, %dma_wait3A] : memref<10240x128xf32, #tpu.memory_space<vmem_shared>> -> memref<128x128xf32, #tpu.memory_space<vmem_shared>>
      %dma_wait3A_49 = arith.constant 0 : i32
      %dma_wait3A_50 = tpu.memref_slice %arg7[%add3A_24, %dma_wait3A_49] : memref<10240x128xf32, #tpu.memory_space<vmem_shared>> -> memref<128x128xf32, #tpu.memory_space<vmem_shared>>
      tpu.wait_dma2 semaphore(%run_scoped3A : memref<!tpu.dma_semaphore, #tpu.memory_space<semaphore_mem>>) src(%arg5 : memref<128x128xf32, #tpu.memory_space<vmem>>) dst(%dma_wait3A_50 : memref<128x128xf32, #tpu.memory_space<vmem_shared>>)
      tpu.yield
    }) : () -> ()
    %mul3A_25 = arith.constant 640 : i32
    %mul3A_26 = arith.muli %arg1, %mul3A_25 : i32
    %add3A_27 = arith.constant 384 : i32
    %add3A_28 = arith.addi %mul3A_26, %add3A_27 : i32
    "tpu.region"() ({
      %run_scoped3A = tpu.sem_alloc : memref<!tpu.dma_semaphore, #tpu.memory_space<semaphore_mem>>
      %dma_start3A = arith.constant 0 : i32
      %dma_start3A_45 = tpu.memref_slice %arg7[%add3A_28, %dma_start3A] : memref<10240x128xf32, #tpu.memory_space<vmem_shared>> -> memref<128x128xf32, #tpu.memory_space<vmem_shared>>
      %dma_start3A_46 = arith.constant 0 : i32
      %dma_start3A_47 = tpu.memref_slice %arg7[%add3A_28, %dma_start3A_46] : memref<10240x128xf32, #tpu.memory_space<vmem_shared>> -> memref<128x128xf32, #tpu.memory_space<vmem_shared>>
      tpu.enqueue_dma source(%arg5 : memref<128x128xf32, #tpu.memory_space<vmem>>) target(%dma_start3A_47 : memref<128x128xf32, #tpu.memory_space<vmem_shared>>) target_semaphore(%run_scoped3A : memref<!tpu.dma_semaphore, #tpu.memory_space<semaphore_mem>>)
      %dma_wait3A = arith.constant 0 : i32
      %dma_wait3A_48 = tpu.memref_slice %arg7[%add3A_28, %dma_wait3A] : memref<10240x128xf32, #tpu.memory_space<vmem_shared>> -> memref<128x128xf32, #tpu.memory_space<vmem_shared>>
      %dma_wait3A_49 = arith.constant 0 : i32
      %dma_wait3A_50 = tpu.memref_slice %arg7[%add3A_28, %dma_wait3A_49] : memref<10240x128xf32, #tpu.memory_space<vmem_shared>> -> memref<128x128xf32, #tpu.memory_space<vmem_shared>>
      tpu.wait_dma2 semaphore(%run_scoped3A : memref<!tpu.dma_semaphore, #tpu.memory_space<semaphore_mem>>) src(%arg5 : memref<128x128xf32, #tpu.memory_space<vmem>>) dst(%dma_wait3A_50 : memref<128x128xf32, #tpu.memory_space<vmem_shared>>)
      tpu.yield
    }) : () -> ()
    %mul3A_29 = arith.constant 640 : i32
    %mul3A_30 = arith.muli %arg1, %mul3A_29 : i32
    %add3A_31 = arith.constant 512 : i32
    %add3A_32 = arith.addi %mul3A_30, %add3A_31 : i32
    "tpu.region"() ({
      %run_scoped3A = tpu.sem_alloc : memref<!tpu.dma_semaphore, #tpu.memory_space<semaphore_mem>>
      %dma_start3A = arith.constant 0 : i32
      %dma_start3A_45 = tpu.memref_slice %arg7[%add3A_32, %dma_start3A] : memref<10240x128xf32, #tpu.memory_space<vmem_shared>> -> memref<128x128xf32, #tpu.memory_space<vmem_shared>>
      %dma_start3A_46 = arith.constant 0 : i32
      %dma_start3A_47 = tpu.memref_slice %arg7[%add3A_32, %dma_start3A_46] : memref<10240x128xf32, #tpu.memory_space<vmem_shared>> -> memref<128x128xf32, #tpu.memory_space<vmem_shared>>
      tpu.enqueue_dma source(%arg5 : memref<128x128xf32, #tpu.memory_space<vmem>>) target(%dma_start3A_47 : memref<128x128xf32, #tpu.memory_space<vmem_shared>>) target_semaphore(%run_scoped3A : memref<!tpu.dma_semaphore, #tpu.memory_space<semaphore_mem>>)
      %dma_wait3A = arith.constant 0 : i32
      %dma_wait3A_48 = tpu.memref_slice %arg7[%add3A_32, %dma_wait3A] : memref<10240x128xf32, #tpu.memory_space<vmem_shared>> -> memref<128x128xf32, #tpu.memory_space<vmem_shared>>
      %dma_wait3A_49 = arith.constant 0 : i32
      %dma_wait3A_50 = tpu.memref_slice %arg7[%add3A_32, %dma_wait3A_49] : memref<10240x128xf32, #tpu.memory_space<vmem_shared>> -> memref<128x128xf32, #tpu.memory_space<vmem_shared>>
      tpu.wait_dma2 semaphore(%run_scoped3A : memref<!tpu.dma_semaphore, #tpu.memory_space<semaphore_mem>>) src(%arg5 : memref<128x128xf32, #tpu.memory_space<vmem>>) dst(%dma_wait3A_50 : memref<128x128xf32, #tpu.memory_space<vmem_shared>>)
      tpu.yield
    }) : () -> ()
    %barrier3A = arith.constant 0 : index
    tpu.barrier barrier_id(%barrier3A)
    "tpu.region"() ({
      %run_scoped3A = tpu.sem_alloc : memref<!tpu.dma_semaphore, #tpu.memory_space<semaphore_mem>>
      %dma_start3A = arith.constant 0 : i32
      %dma_start3A_45 = arith.constant 0 : i32
      %dma_start3A_46 = tpu.memref_slice %arg2[%add3A, %dma_start3A, %dma_start3A_45] : memref<32x80x128xi32, #tpu.memory_space<hbm>> -> memref<1x80x128xi32, #tpu.memory_space<hbm>>
      %dma_start3A_47 = tpu.memref_squeeze %dma_start3A_46 : memref<1x80x128xi32, #tpu.memory_space<hbm>> -> memref<80x128xi32, #tpu.memory_space<hbm>>
      %dma_start3A_48 = arith.constant 0 : i32
      %dma_start3A_49 = arith.constant 0 : i32
      %dma_start3A_50 = tpu.memref_slice %arg2[%add3A, %dma_start3A_48, %dma_start3A_49] : memref<32x80x128xi32, #tpu.memory_space<hbm>> -> memref<1x80x128xi32, #tpu.memory_space<hbm>>
      %dma_start3A_51 = tpu.memref_squeeze %dma_start3A_50 : memref<1x80x128xi32, #tpu.memory_space<hbm>> -> memref<80x128xi32, #tpu.memory_space<hbm>>
      tpu.enqueue_dma source(%dma_start3A_51 : memref<80x128xi32, #tpu.memory_space<hbm>>) target(%arg4 : memref<80x128xi32, #tpu.memory_space<vmem>>) target_semaphore(%run_scoped3A : memref<!tpu.dma_semaphore, #tpu.memory_space<semaphore_mem>>)
      %dma_wait3A = arith.constant 0 : i32
      %dma_wait3A_52 = arith.constant 0 : i32
      %dma_wait3A_53 = tpu.memref_slice %arg2[%add3A, %dma_wait3A, %dma_wait3A_52] : memref<32x80x128xi32, #tpu.memory_space<hbm>> -> memref<1x80x128xi32, #tpu.memory_space<hbm>>
      %dma_wait3A_54 = tpu.memref_squeeze %dma_wait3A_53 : memref<1x80x128xi32, #tpu.memory_space<hbm>> -> memref<80x128xi32, #tpu.memory_space<hbm>>
      %dma_wait3A_55 = arith.constant 0 : i32
      %dma_wait3A_56 = arith.constant 0 : i32
      %dma_wait3A_57 = tpu.memref_slice %arg2[%add3A, %dma_wait3A_55, %dma_wait3A_56] : memref<32x80x128xi32, #tpu.memory_space<hbm>> -> memref<1x80x128xi32, #tpu.memory_space<hbm>>
      %dma_wait3A_58 = tpu.memref_squeeze %dma_wait3A_57 : memref<1x80x128xi32, #tpu.memory_space<hbm>> -> memref<80x128xi32, #tpu.memory_space<hbm>>
      tpu.wait_dma2 semaphore(%run_scoped3A : memref<!tpu.dma_semaphore, #tpu.memory_space<semaphore_mem>>) src(%dma_wait3A_58 : memref<80x128xi32, #tpu.memory_space<hbm>>) dst(%arg4 : memref<80x128xi32, #tpu.memory_space<vmem>>)
      tpu.yield
    }) : () -> ()
    %scan3A_33 = arith.constant 0 : i32
    %scan3A_34 = arith.constant 0 : i32
    %scan3A_35 = arith.constant 80 : i32
    %scan3A_36 = arith.addi %scan3A_34, %scan3A_35 : i32
    %scan3A_37 = arith.constant 1 : i32
    %scan3A_38 = scf.for %scan3A_45 = %scan3A_34 to %scan3A_36 step %scan3A_37 iter_args(%scan3A_46 = %scan3A_33) -> (i32)  : i32 {
      "tpu.region"() ({
        %run_scoped3A = tpu.sem_alloc : memref<!tpu.dma_semaphore, #tpu.memory_space<semaphore_mem>>
        %dma_start3A = arith.constant 0 : i32
        %dma_start3A_48 = tpu.memref_slice %arg4[%scan3A_45, %dma_start3A] : memref<80x128xi32, #tpu.memory_space<vmem>> -> memref<1x128xi32, #tpu.memory_space<vmem>>
        %dma_start3A_49 = tpu.memref_squeeze %dma_start3A_48 : memref<1x128xi32, #tpu.memory_space<vmem>> -> memref<128xi32, #tpu.memory_space<vmem>>
        %dma_start3A_50 = arith.constant 0 : i32
        %dma_start3A_51 = arith.constant 0 : i32
        %dma_start3A_52 = tpu.memref_slice %arg7[%dma_start3A_50, %dma_start3A_51] : memref<10240x128xf32, #tpu.memory_space<vmem_shared>> -> memref<10240x128xf32, #tpu.memory_space<vmem_shared>>
        tpu.enqueue_indirect_dma source(%arg6 : memref<128x128xf32, #tpu.memory_space<vmem>>) target(%dma_start3A_52 : memref<10240x128xf32, #tpu.memory_space<vmem_shared>>) offsets(%dma_start3A_49 : memref<128xi32, #tpu.memory_space<vmem>>) semaphore(%run_scoped3A : memref<!tpu.dma_semaphore, #tpu.memory_space<semaphore_mem>>) {add = true}
        %dma_wait3A = arith.constant 0 : i32
        %dma_wait3A_53 = tpu.memref_slice %arg4[%scan3A_45, %dma_wait3A] : memref<80x128xi32, #tpu.memory_space<vmem>> -> memref<1x128xi32, #tpu.memory_space<vmem>>
        %dma_wait3A_54 = tpu.memref_squeeze %dma_wait3A_53 : memref<1x128xi32, #tpu.memory_space<vmem>> -> memref<128xi32, #tpu.memory_space<vmem>>
        %dma_wait3A_55 = arith.constant 0 : i32
        %dma_wait3A_56 = arith.constant 0 : i32
        %dma_wait3A_57 = tpu.memref_slice %arg7[%dma_wait3A_55, %dma_wait3A_56] : memref<10240x128xf32, #tpu.memory_space<vmem_shared>> -> memref<10240x128xf32, #tpu.memory_space<vmem_shared>>
        tpu.wait_indirect_dma semaphore(%run_scoped3A : memref<!tpu.dma_semaphore, #tpu.memory_space<semaphore_mem>>) src(%arg6 : memref<128x128xf32, #tpu.memory_space<vmem>>) dst(%dma_wait3A_57 : memref<10240x128xf32, #tpu.memory_space<vmem_shared>>)
        tpu.yield
      }) : () -> ()
      %scan3A_47 = arith.constant 0 : i32
      scf.yield %scan3A_47 : i32
    }
    %scan3A_39 = arith.constant 80 : i32
    %barrier3A_40 = arith.constant 0 : index
    tpu.barrier barrier_id(%barrier3A_40)
    %mul3A_41 = arith.constant 640 : i32
    %mul3A_42 = arith.muli %arg1, %mul3A_41 : i32
    %mul3A_43 = arith.constant 640 : i32
    %mul3A_44 = arith.muli %arg1, %mul3A_43 : i32
    "tpu.region"() ({
      %run_scoped3A = tpu.sem_alloc : memref<!tpu.dma_semaphore, #tpu.memory_space<semaphore_mem>>
      %dma_start3A = arith.constant 0 : i32
      %dma_start3A_45 = tpu.memref_slice %arg3[%arg0, %mul3A_44, %dma_start3A] : memref<2x10240x128xf32, #tpu.memory_space<hbm>> -> memref<1x640x128xf32, #tpu.memory_space<hbm>>
      %dma_start3A_46 = tpu.memref_squeeze %dma_start3A_45 : memref<1x640x128xf32, #tpu.memory_space<hbm>> -> memref<640x128xf32, #tpu.memory_space<hbm>>
      %dma_start3A_47 = arith.constant 0 : i32
      %dma_start3A_48 = tpu.memref_slice %arg7[%mul3A_42, %dma_start3A_47] : memref<10240x128xf32, #tpu.memory_space<vmem_shared>> -> memref<640x128xf32, #tpu.memory_space<vmem_shared>>
      tpu.enqueue_dma source(%dma_start3A_48 : memref<640x128xf32, #tpu.memory_space<vmem_shared>>) target(%dma_start3A_46 : memref<640x128xf32, #tpu.memory_space<hbm>>) target_semaphore(%run_scoped3A : memref<!tpu.dma_semaphore, #tpu.memory_space<semaphore_mem>>)
      %dma_wait3A = arith.constant 0 : i32
      %dma_wait3A_49 = tpu.memref_slice %arg3[%arg0, %mul3A_44, %dma_wait3A] : memref<2x10240x128xf32, #tpu.memory_space<hbm>> -> memref<1x640x128xf32, #tpu.memory_space<hbm>>
      %dma_wait3A_50 = tpu.memref_squeeze %dma_wait3A_49 : memref<1x640x128xf32, #tpu.memory_space<hbm>> -> memref<640x128xf32, #tpu.memory_space<hbm>>
      %dma_wait3A_51 = arith.constant 0 : i32
      %dma_wait3A_52 = tpu.memref_slice %arg7[%mul3A_42, %dma_wait3A_51] : memref<10240x128xf32, #tpu.memory_space<vmem_shared>> -> memref<640x128xf32, #tpu.memory_space<vmem_shared>>
      tpu.wait_dma2 semaphore(%run_scoped3A : memref<!tpu.dma_semaphore, #tpu.memory_space<semaphore_mem>>) src(%dma_wait3A_52 : memref<640x128xf32, #tpu.memory_space<vmem_shared>>) dst(%dma_wait3A_50 : memref<640x128xf32, #tpu.memory_space<hbm>>)
      tpu.yield
    }) : () -> ()
    return
  }
}

#map = affine_map<(d0, d1) -> (0, 0)>
#map1 = affine_map<(d0, d1) -> (0, 0, 0)>
module attributes {stable_mosaic.version = 14 : i64} {
  func.func @_conv_kernel(%arg0: i32, %arg1: i32, %arg2: memref<10240x128xf32, #tpu.memory_space<hbm>>, %arg3: memref<2624x128xi32, #tpu.memory_space<hbm>>, %arg4: memref<2624x128xi32, #tpu.memory_space<hbm>>, %arg5: memref<2x10240x128xf32, #tpu.memory_space<hbm>>, %arg6: memref<112x128xi32, #tpu.memory_space<vmem>>, %arg7: memref<112x128xi32, #tpu.memory_space<vmem>>, %arg8: memref<128x128xf32, #tpu.memory_space<vmem>>, %arg9: memref<10240x128xf32, #tpu.memory_space<vmem_shared>>, %arg10: memref<!tpu.dma_semaphore, #tpu.memory_space<semaphore_mem>>) attributes {dimension_semantics = [#tpu.dimension_semantics<core_parallel>, #tpu.dimension_semantics<subcore_parallel>], iteration_bounds = array<i64: 2, 16>, scalar_prefetch = 0 : i64, scratch_operands = 5 : i64, tpu.core_type = #tpu.core_type<sc_vector_subcore>, window_params = [{transform_indices = #map}, {transform_indices = #map}, {transform_indices = #map}, {transform_indices = #map1}]} {
    %eq3A = arith.constant 0 : i32
    %eq3A_0 = arith.cmpi eq, %arg0, %eq3A : i32
    %mul3A = arith.constant 112 : i32
    %mul3A_1 = arith.muli %arg1, %mul3A : i32
    %mul3A_2 = arith.constant 48 : i32
    %mul3A_3 = arith.muli %arg1, %mul3A_2 : i32
    %add3A = arith.constant 1792 : i32
    %add3A_4 = arith.addi %add3A, %mul3A_3 : i32
    %select_n3A = arith.select %eq3A_0, %mul3A_1, %add3A_4 : i32
    %eq3A_5 = arith.constant 0 : i32
    %eq3A_6 = arith.cmpi eq, %arg0, %eq3A_5 : i32
    %jit3A = arith.constant 112 : i32
    %jit3A_7 = arith.constant 48 : i32
    %select_n3A_8 = arith.select %eq3A_6, %jit3A, %jit3A_7 : i32
    %broadcast_in_dim3A = arith.constant 0.000000e+00 : f32
    %broadcast_in_dim3A_9 = vector.broadcast %broadcast_in_dim3A : f32 to vector<16xf32>
    %scan3A = arith.constant 0 : i32
    %scan3A_10 = arith.constant 0 : i32
    %scan3A_11 = arith.constant 128 : i32
    %scan3A_12 = arith.addi %scan3A_10, %scan3A_11 : i32
    %scan3A_13 = arith.constant 1 : i32
    %scan3A_14 = scf.for %scan3A_48 = %scan3A_10 to %scan3A_12 step %scan3A_13 iter_args(%scan3A_49 = %scan3A) -> (i32)  : i32 {
      %swap3A = arith.index_cast %scan3A_48 : i32 to index
      %swap3A_50 = arith.constant 0 : index
      %swap3A_51 = tpu.vector_load %arg8[%swap3A, %swap3A_50] {strides = array<i32>} : memref<128x128xf32, #tpu.memory_space<vmem>>, vector<1x16xf32>,
      %swap3A_52 = vector.shape_cast %swap3A_51 : vector<1x16xf32> to vector<16xf32>
      %swap3A_53 = vector.shape_cast %broadcast_in_dim3A_9 : vector<16xf32> to vector<1x16xf32>
      tpu.vector_store %arg8[%swap3A, %swap3A_50], %swap3A_53 {strides = array<i32>} : memref<128x128xf32, #tpu.memory_space<vmem>>, vector<1x16xf32>,
      %swap3A_54 = arith.index_cast %scan3A_48 : i32 to index
      %swap3A_55 = arith.constant 16 : index
      %swap3A_56 = tpu.vector_load %arg8[%swap3A_54, %swap3A_55] {strides = array<i32>} : memref<128x128xf32, #tpu.memory_space<vmem>>, vector<1x16xf32>,
      %swap3A_57 = vector.shape_cast %swap3A_56 : vector<1x16xf32> to vector<16xf32>
      %swap3A_58 = vector.shape_cast %broadcast_in_dim3A_9 : vector<16xf32> to vector<1x16xf32>
      tpu.vector_store %arg8[%swap3A_54, %swap3A_55], %swap3A_58 {strides = array<i32>} : memref<128x128xf32, #tpu.memory_space<vmem>>, vector<1x16xf32>,
      %swap3A_59 = arith.index_cast %scan3A_48 : i32 to index
      %swap3A_60 = arith.constant 32 : index
      %swap3A_61 = tpu.vector_load %arg8[%swap3A_59, %swap3A_60] {strides = array<i32>} : memref<128x128xf32, #tpu.memory_space<vmem>>, vector<1x16xf32>,
      %swap3A_62 = vector.shape_cast %swap3A_61 : vector<1x16xf32> to vector<16xf32>
      %swap3A_63 = vector.shape_cast %broadcast_in_dim3A_9 : vector<16xf32> to vector<1x16xf32>
      tpu.vector_store %arg8[%swap3A_59, %swap3A_60], %swap3A_63 {strides = array<i32>} : memref<128x128xf32, #tpu.memory_space<vmem>>, vector<1x16xf32>,
      %swap3A_64 = arith.index_cast %scan3A_48 : i32 to index
      %swap3A_65 = arith.constant 48 : index
      %swap3A_66 = tpu.vector_load %arg8[%swap3A_64, %swap3A_65] {strides = array<i32>} : memref<128x128xf32, #tpu.memory_space<vmem>>, vector<1x16xf32>,
      %swap3A_67 = vector.shape_cast %swap3A_66 : vector<1x16xf32> to vector<16xf32>
      %swap3A_68 = vector.shape_cast %broadcast_in_dim3A_9 : vector<16xf32> to vector<1x16xf32>
      tpu.vector_store %arg8[%swap3A_64, %swap3A_65], %swap3A_68 {strides = array<i32>} : memref<128x128xf32, #tpu.memory_space<vmem>>, vector<1x16xf32>,
      %swap3A_69 = arith.index_cast %scan3A_48 : i32 to index
      %swap3A_70 = arith.constant 64 : index
      %swap3A_71 = tpu.vector_load %arg8[%swap3A_69, %swap3A_70] {strides = array<i32>} : memref<128x128xf32, #tpu.memory_space<vmem>>, vector<1x16xf32>,
      %swap3A_72 = vector.shape_cast %swap3A_71 : vector<1x16xf32> to vector<16xf32>
      %swap3A_73 = vector.shape_cast %broadcast_in_dim3A_9 : vector<16xf32> to vector<1x16xf32>
      tpu.vector_store %arg8[%swap3A_69, %swap3A_70], %swap3A_73 {strides = array<i32>} : memref<128x128xf32, #tpu.memory_space<vmem>>, vector<1x16xf32>,
      %swap3A_74 = arith.index_cast %scan3A_48 : i32 to index
      %swap3A_75 = arith.constant 80 : index
      %swap3A_76 = tpu.vector_load %arg8[%swap3A_74, %swap3A_75] {strides = array<i32>} : memref<128x128xf32, #tpu.memory_space<vmem>>, vector<1x16xf32>,
      %swap3A_77 = vector.shape_cast %swap3A_76 : vector<1x16xf32> to vector<16xf32>
      %swap3A_78 = vector.shape_cast %broadcast_in_dim3A_9 : vector<16xf32> to vector<1x16xf32>
      tpu.vector_store %arg8[%swap3A_74, %swap3A_75], %swap3A_78 {strides = array<i32>} : memref<128x128xf32, #tpu.memory_space<vmem>>, vector<1x16xf32>,
      %swap3A_79 = arith.index_cast %scan3A_48 : i32 to index
      %swap3A_80 = arith.constant 96 : index
      %swap3A_81 = tpu.vector_load %arg8[%swap3A_79, %swap3A_80] {strides = array<i32>} : memref<128x128xf32, #tpu.memory_space<vmem>>, vector<1x16xf32>,
      %swap3A_82 = vector.shape_cast %swap3A_81 : vector<1x16xf32> to vector<16xf32>
      %swap3A_83 = vector.shape_cast %broadcast_in_dim3A_9 : vector<16xf32> to vector<1x16xf32>
      tpu.vector_store %arg8[%swap3A_79, %swap3A_80], %swap3A_83 {strides = array<i32>} : memref<128x128xf32, #tpu.memory_space<vmem>>, vector<1x16xf32>,
      %swap3A_84 = arith.index_cast %scan3A_48 : i32 to index
      %swap3A_85 = arith.constant 112 : index
      %swap3A_86 = tpu.vector_load %arg8[%swap3A_84, %swap3A_85] {strides = array<i32>} : memref<128x128xf32, #tpu.memory_space<vmem>>, vector<1x16xf32>,
      %swap3A_87 = vector.shape_cast %swap3A_86 : vector<1x16xf32> to vector<16xf32>
      %swap3A_88 = vector.shape_cast %broadcast_in_dim3A_9 : vector<16xf32> to vector<1x16xf32>
      tpu.vector_store %arg8[%swap3A_84, %swap3A_85], %swap3A_88 {strides = array<i32>} : memref<128x128xf32, #tpu.memory_space<vmem>>, vector<1x16xf32>,
      %scan3A_89 = arith.constant 0 : i32
      scf.yield %scan3A_89 : i32
    }
    %scan3A_15 = arith.constant 128 : i32
    %mul3A_16 = arith.constant 640 : i32
    %mul3A_17 = arith.muli %arg1, %mul3A_16 : i32
    %add3A_18 = arith.constant 0 : i32
    %add3A_19 = arith.addi %mul3A_17, %add3A_18 : i32
    "tpu.region"() ({
      %run_scoped3A = tpu.sem_alloc : memref<!tpu.dma_semaphore, #tpu.memory_space<semaphore_mem>>
      %dma_start3A = arith.constant 0 : i32
      %dma_start3A_48 = tpu.memref_slice %arg9[%add3A_19, %dma_start3A] : memref<10240x128xf32, #tpu.memory_space<vmem_shared>> -> memref<128x128xf32, #tpu.memory_space<vmem_shared>>
      %dma_start3A_49 = arith.constant 0 : i32
      %dma_start3A_50 = tpu.memref_slice %arg9[%add3A_19, %dma_start3A_49] : memref<10240x128xf32, #tpu.memory_space<vmem_shared>> -> memref<128x128xf32, #tpu.memory_space<vmem_shared>>
      tpu.enqueue_dma source(%arg8 : memref<128x128xf32, #tpu.memory_space<vmem>>) target(%dma_start3A_50 : memref<128x128xf32, #tpu.memory_space<vmem_shared>>) target_semaphore(%run_scoped3A : memref<!tpu.dma_semaphore, #tpu.memory_space<semaphore_mem>>)
      %dma_wait3A = arith.constant 0 : i32
      %dma_wait3A_51 = tpu.memref_slice %arg9[%add3A_19, %dma_wait3A] : memref<10240x128xf32, #tpu.memory_space<vmem_shared>> -> memref<128x128xf32, #tpu.memory_space<vmem_shared>>
      %dma_wait3A_52 = arith.constant 0 : i32
      %dma_wait3A_53 = tpu.memref_slice %arg9[%add3A_19, %dma_wait3A_52] : memref<10240x128xf32, #tpu.memory_space<vmem_shared>> -> memref<128x128xf32, #tpu.memory_space<vmem_shared>>
      tpu.wait_dma2 semaphore(%run_scoped3A : memref<!tpu.dma_semaphore, #tpu.memory_space<semaphore_mem>>) src(%arg8 : memref<128x128xf32, #tpu.memory_space<vmem>>) dst(%dma_wait3A_53 : memref<128x128xf32, #tpu.memory_space<vmem_shared>>)
      tpu.yield
    }) : () -> ()
    %mul3A_20 = arith.constant 640 : i32
    %mul3A_21 = arith.muli %arg1, %mul3A_20 : i32
    %add3A_22 = arith.constant 128 : i32
    %add3A_23 = arith.addi %mul3A_21, %add3A_22 : i32
    "tpu.region"() ({
      %run_scoped3A = tpu.sem_alloc : memref<!tpu.dma_semaphore, #tpu.memory_space<semaphore_mem>>
      %dma_start3A = arith.constant 0 : i32
      %dma_start3A_48 = tpu.memref_slice %arg9[%add3A_23, %dma_start3A] : memref<10240x128xf32, #tpu.memory_space<vmem_shared>> -> memref<128x128xf32, #tpu.memory_space<vmem_shared>>
      %dma_start3A_49 = arith.constant 0 : i32
      %dma_start3A_50 = tpu.memref_slice %arg9[%add3A_23, %dma_start3A_49] : memref<10240x128xf32, #tpu.memory_space<vmem_shared>> -> memref<128x128xf32, #tpu.memory_space<vmem_shared>>
      tpu.enqueue_dma source(%arg8 : memref<128x128xf32, #tpu.memory_space<vmem>>) target(%dma_start3A_50 : memref<128x128xf32, #tpu.memory_space<vmem_shared>>) target_semaphore(%run_scoped3A : memref<!tpu.dma_semaphore, #tpu.memory_space<semaphore_mem>>)
      %dma_wait3A = arith.constant 0 : i32
      %dma_wait3A_51 = tpu.memref_slice %arg9[%add3A_23, %dma_wait3A] : memref<10240x128xf32, #tpu.memory_space<vmem_shared>> -> memref<128x128xf32, #tpu.memory_space<vmem_shared>>
      %dma_wait3A_52 = arith.constant 0 : i32
      %dma_wait3A_53 = tpu.memref_slice %arg9[%add3A_23, %dma_wait3A_52] : memref<10240x128xf32, #tpu.memory_space<vmem_shared>> -> memref<128x128xf32, #tpu.memory_space<vmem_shared>>
      tpu.wait_dma2 semaphore(%run_scoped3A : memref<!tpu.dma_semaphore, #tpu.memory_space<semaphore_mem>>) src(%arg8 : memref<128x128xf32, #tpu.memory_space<vmem>>) dst(%dma_wait3A_53 : memref<128x128xf32, #tpu.memory_space<vmem_shared>>)
      tpu.yield
    }) : () -> ()
    %mul3A_24 = arith.constant 640 : i32
    %mul3A_25 = arith.muli %arg1, %mul3A_24 : i32
    %add3A_26 = arith.constant 256 : i32
    %add3A_27 = arith.addi %mul3A_25, %add3A_26 : i32
    "tpu.region"() ({
      %run_scoped3A = tpu.sem_alloc : memref<!tpu.dma_semaphore, #tpu.memory_space<semaphore_mem>>
      %dma_start3A = arith.constant 0 : i32
      %dma_start3A_48 = tpu.memref_slice %arg9[%add3A_27, %dma_start3A] : memref<10240x128xf32, #tpu.memory_space<vmem_shared>> -> memref<128x128xf32, #tpu.memory_space<vmem_shared>>
      %dma_start3A_49 = arith.constant 0 : i32
      %dma_start3A_50 = tpu.memref_slice %arg9[%add3A_27, %dma_start3A_49] : memref<10240x128xf32, #tpu.memory_space<vmem_shared>> -> memref<128x128xf32, #tpu.memory_space<vmem_shared>>
      tpu.enqueue_dma source(%arg8 : memref<128x128xf32, #tpu.memory_space<vmem>>) target(%dma_start3A_50 : memref<128x128xf32, #tpu.memory_space<vmem_shared>>) target_semaphore(%run_scoped3A : memref<!tpu.dma_semaphore, #tpu.memory_space<semaphore_mem>>)
      %dma_wait3A = arith.constant 0 : i32
      %dma_wait3A_51 = tpu.memref_slice %arg9[%add3A_27, %dma_wait3A] : memref<10240x128xf32, #tpu.memory_space<vmem_shared>> -> memref<128x128xf32, #tpu.memory_space<vmem_shared>>
      %dma_wait3A_52 = arith.constant 0 : i32
      %dma_wait3A_53 = tpu.memref_slice %arg9[%add3A_27, %dma_wait3A_52] : memref<10240x128xf32, #tpu.memory_space<vmem_shared>> -> memref<128x128xf32, #tpu.memory_space<vmem_shared>>
      tpu.wait_dma2 semaphore(%run_scoped3A : memref<!tpu.dma_semaphore, #tpu.memory_space<semaphore_mem>>) src(%arg8 : memref<128x128xf32, #tpu.memory_space<vmem>>) dst(%dma_wait3A_53 : memref<128x128xf32, #tpu.memory_space<vmem_shared>>)
      tpu.yield
    }) : () -> ()
    %mul3A_28 = arith.constant 640 : i32
    %mul3A_29 = arith.muli %arg1, %mul3A_28 : i32
    %add3A_30 = arith.constant 384 : i32
    %add3A_31 = arith.addi %mul3A_29, %add3A_30 : i32
    "tpu.region"() ({
      %run_scoped3A = tpu.sem_alloc : memref<!tpu.dma_semaphore, #tpu.memory_space<semaphore_mem>>
      %dma_start3A = arith.constant 0 : i32
      %dma_start3A_48 = tpu.memref_slice %arg9[%add3A_31, %dma_start3A] : memref<10240x128xf32, #tpu.memory_space<vmem_shared>> -> memref<128x128xf32, #tpu.memory_space<vmem_shared>>
      %dma_start3A_49 = arith.constant 0 : i32
      %dma_start3A_50 = tpu.memref_slice %arg9[%add3A_31, %dma_start3A_49] : memref<10240x128xf32, #tpu.memory_space<vmem_shared>> -> memref<128x128xf32, #tpu.memory_space<vmem_shared>>
      tpu.enqueue_dma source(%arg8 : memref<128x128xf32, #tpu.memory_space<vmem>>) target(%dma_start3A_50 : memref<128x128xf32, #tpu.memory_space<vmem_shared>>) target_semaphore(%run_scoped3A : memref<!tpu.dma_semaphore, #tpu.memory_space<semaphore_mem>>)
      %dma_wait3A = arith.constant 0 : i32
      %dma_wait3A_51 = tpu.memref_slice %arg9[%add3A_31, %dma_wait3A] : memref<10240x128xf32, #tpu.memory_space<vmem_shared>> -> memref<128x128xf32, #tpu.memory_space<vmem_shared>>
      %dma_wait3A_52 = arith.constant 0 : i32
      %dma_wait3A_53 = tpu.memref_slice %arg9[%add3A_31, %dma_wait3A_52] : memref<10240x128xf32, #tpu.memory_space<vmem_shared>> -> memref<128x128xf32, #tpu.memory_space<vmem_shared>>
      tpu.wait_dma2 semaphore(%run_scoped3A : memref<!tpu.dma_semaphore, #tpu.memory_space<semaphore_mem>>) src(%arg8 : memref<128x128xf32, #tpu.memory_space<vmem>>) dst(%dma_wait3A_53 : memref<128x128xf32, #tpu.memory_space<vmem_shared>>)
      tpu.yield
    }) : () -> ()
    %mul3A_32 = arith.constant 640 : i32
    %mul3A_33 = arith.muli %arg1, %mul3A_32 : i32
    %add3A_34 = arith.constant 512 : i32
    %add3A_35 = arith.addi %mul3A_33, %add3A_34 : i32
    "tpu.region"() ({
      %run_scoped3A = tpu.sem_alloc : memref<!tpu.dma_semaphore, #tpu.memory_space<semaphore_mem>>
      %dma_start3A = arith.constant 0 : i32
      %dma_start3A_48 = tpu.memref_slice %arg9[%add3A_35, %dma_start3A] : memref<10240x128xf32, #tpu.memory_space<vmem_shared>> -> memref<128x128xf32, #tpu.memory_space<vmem_shared>>
      %dma_start3A_49 = arith.constant 0 : i32
      %dma_start3A_50 = tpu.memref_slice %arg9[%add3A_35, %dma_start3A_49] : memref<10240x128xf32, #tpu.memory_space<vmem_shared>> -> memref<128x128xf32, #tpu.memory_space<vmem_shared>>
      tpu.enqueue_dma source(%arg8 : memref<128x128xf32, #tpu.memory_space<vmem>>) target(%dma_start3A_50 : memref<128x128xf32, #tpu.memory_space<vmem_shared>>) target_semaphore(%run_scoped3A : memref<!tpu.dma_semaphore, #tpu.memory_space<semaphore_mem>>)
      %dma_wait3A = arith.constant 0 : i32
      %dma_wait3A_51 = tpu.memref_slice %arg9[%add3A_35, %dma_wait3A] : memref<10240x128xf32, #tpu.memory_space<vmem_shared>> -> memref<128x128xf32, #tpu.memory_space<vmem_shared>>
      %dma_wait3A_52 = arith.constant 0 : i32
      %dma_wait3A_53 = tpu.memref_slice %arg9[%add3A_35, %dma_wait3A_52] : memref<10240x128xf32, #tpu.memory_space<vmem_shared>> -> memref<128x128xf32, #tpu.memory_space<vmem_shared>>
      tpu.wait_dma2 semaphore(%run_scoped3A : memref<!tpu.dma_semaphore, #tpu.memory_space<semaphore_mem>>) src(%arg8 : memref<128x128xf32, #tpu.memory_space<vmem>>) dst(%dma_wait3A_53 : memref<128x128xf32, #tpu.memory_space<vmem_shared>>)
      tpu.yield
    }) : () -> ()
    %barrier3A = arith.constant 0 : index
    tpu.barrier barrier_id(%barrier3A)
    "tpu.region"() ({
      %run_scoped3A = tpu.sem_alloc : memref<!tpu.dma_semaphore, #tpu.memory_space<semaphore_mem>>
      %dma_start3A = arith.constant 0 : i32
      %dma_start3A_48 = tpu.memref_slice %arg3[%select_n3A, %dma_start3A] : memref<2624x128xi32, #tpu.memory_space<hbm>> -> memref<112x128xi32, #tpu.memory_space<hbm>>
      %dma_start3A_49 = arith.constant 0 : i32
      %dma_start3A_50 = tpu.memref_slice %arg3[%select_n3A, %dma_start3A_49] : memref<2624x128xi32, #tpu.memory_space<hbm>> -> memref<112x128xi32, #tpu.memory_space<hbm>>
      tpu.enqueue_dma source(%dma_start3A_50 : memref<112x128xi32, #tpu.memory_space<hbm>>) target(%arg6 : memref<112x128xi32, #tpu.memory_space<vmem>>) target_semaphore(%run_scoped3A : memref<!tpu.dma_semaphore, #tpu.memory_space<semaphore_mem>>)
      %dma_wait3A = arith.constant 0 : i32
      %dma_wait3A_51 = tpu.memref_slice %arg3[%select_n3A, %dma_wait3A] : memref<2624x128xi32, #tpu.memory_space<hbm>> -> memref<112x128xi32, #tpu.memory_space<hbm>>
      %dma_wait3A_52 = arith.constant 0 : i32
      %dma_wait3A_53 = tpu.memref_slice %arg3[%select_n3A, %dma_wait3A_52] : memref<2624x128xi32, #tpu.memory_space<hbm>> -> memref<112x128xi32, #tpu.memory_space<hbm>>
      tpu.wait_dma2 semaphore(%run_scoped3A : memref<!tpu.dma_semaphore, #tpu.memory_space<semaphore_mem>>) src(%dma_wait3A_53 : memref<112x128xi32, #tpu.memory_space<hbm>>) dst(%arg6 : memref<112x128xi32, #tpu.memory_space<vmem>>)
      tpu.yield
    }) : () -> ()
    "tpu.region"() ({
      %run_scoped3A = tpu.sem_alloc : memref<!tpu.dma_semaphore, #tpu.memory_space<semaphore_mem>>
      %dma_start3A = arith.constant 0 : i32
      %dma_start3A_48 = tpu.memref_slice %arg4[%select_n3A, %dma_start3A] : memref<2624x128xi32, #tpu.memory_space<hbm>> -> memref<112x128xi32, #tpu.memory_space<hbm>>
      %dma_start3A_49 = arith.constant 0 : i32
      %dma_start3A_50 = tpu.memref_slice %arg4[%select_n3A, %dma_start3A_49] : memref<2624x128xi32, #tpu.memory_space<hbm>> -> memref<112x128xi32, #tpu.memory_space<hbm>>
      tpu.enqueue_dma source(%dma_start3A_50 : memref<112x128xi32, #tpu.memory_space<hbm>>) target(%arg7 : memref<112x128xi32, #tpu.memory_space<vmem>>) target_semaphore(%run_scoped3A : memref<!tpu.dma_semaphore, #tpu.memory_space<semaphore_mem>>)
      %dma_wait3A = arith.constant 0 : i32
      %dma_wait3A_51 = tpu.memref_slice %arg4[%select_n3A, %dma_wait3A] : memref<2624x128xi32, #tpu.memory_space<hbm>> -> memref<112x128xi32, #tpu.memory_space<hbm>>
      %dma_wait3A_52 = arith.constant 0 : i32
      %dma_wait3A_53 = tpu.memref_slice %arg4[%select_n3A, %dma_wait3A_52] : memref<2624x128xi32, #tpu.memory_space<hbm>> -> memref<112x128xi32, #tpu.memory_space<hbm>>
      tpu.wait_dma2 semaphore(%run_scoped3A : memref<!tpu.dma_semaphore, #tpu.memory_space<semaphore_mem>>) src(%dma_wait3A_53 : memref<112x128xi32, #tpu.memory_space<hbm>>) dst(%arg7 : memref<112x128xi32, #tpu.memory_space<vmem>>)
      tpu.yield
    }) : () -> ()
    %scan3A_36 = arith.constant 0 : i32
    %scan3A_37 = arith.constant 0 : i32
    %scan3A_38 = arith.constant 112 : i32
    %scan3A_39 = arith.addi %scan3A_37, %scan3A_38 : i32
    %scan3A_40 = arith.constant 1 : i32
    %scan3A_41 = scf.for %scan3A_48 = %scan3A_37 to %scan3A_39 step %scan3A_40 iter_args(%scan3A_49 = %scan3A_36) -> (i32)  : i32 {
      %lt3A = arith.cmpi slt, %scan3A_48, %select_n3A_8 : i32
      %convert_element_type3A = arith.extui %lt3A : i1 to i32
      %cond3A = arith.constant 0 : i32
      %cond3A_50 = arith.cmpi ne, %convert_element_type3A, %cond3A : i32
      scf.if %cond3A_50 {
        %dma_start3A = arith.constant 0 : i32
        %dma_start3A_52 = tpu.memref_slice %arg6[%scan3A_48, %dma_start3A] : memref<112x128xi32, #tpu.memory_space<vmem>> -> memref<1x128xi32, #tpu.memory_space<vmem>>
        %dma_start3A_53 = tpu.memref_squeeze %dma_start3A_52 : memref<1x128xi32, #tpu.memory_space<vmem>> -> memref<128xi32, #tpu.memory_space<vmem>>
        %dma_start3A_54 = arith.constant 0 : i32
        %dma_start3A_55 = arith.constant 0 : i32
        %dma_start3A_56 = tpu.memref_slice %arg2[%dma_start3A_54, %dma_start3A_55] : memref<10240x128xf32, #tpu.memory_space<hbm>> -> memref<10240x128xf32, #tpu.memory_space<hbm>>
        tpu.enqueue_indirect_dma source(%dma_start3A_56 : memref<10240x128xf32, #tpu.memory_space<hbm>>) target(%arg8 : memref<128x128xf32, #tpu.memory_space<vmem>>) offsets(%dma_start3A_53 : memref<128xi32, #tpu.memory_space<vmem>>) semaphore(%arg10 : memref<!tpu.dma_semaphore, #tpu.memory_space<semaphore_mem>>)
        %dma_wait3A = arith.constant 0 : i32
        %dma_wait3A_57 = tpu.memref_slice %arg6[%scan3A_48, %dma_wait3A] : memref<112x128xi32, #tpu.memory_space<vmem>> -> memref<1x128xi32, #tpu.memory_space<vmem>>
        %dma_wait3A_58 = tpu.memref_squeeze %dma_wait3A_57 : memref<1x128xi32, #tpu.memory_space<vmem>> -> memref<128xi32, #tpu.memory_space<vmem>>
        %dma_wait3A_59 = arith.constant 0 : i32
        %dma_wait3A_60 = arith.constant 0 : i32
        %dma_wait3A_61 = tpu.memref_slice %arg2[%dma_wait3A_59, %dma_wait3A_60] : memref<10240x128xf32, #tpu.memory_space<hbm>> -> memref<10240x128xf32, #tpu.memory_space<hbm>>
        tpu.wait_indirect_dma semaphore(%arg10 : memref<!tpu.dma_semaphore, #tpu.memory_space<semaphore_mem>>) src(%dma_wait3A_61 : memref<10240x128xf32, #tpu.memory_space<hbm>>) dst(%arg8 : memref<128x128xf32, #tpu.memory_space<vmem>>)
        "tpu.region"() ({
          %run_scoped3A = tpu.sem_alloc : memref<!tpu.dma_semaphore, #tpu.memory_space<semaphore_mem>>
          %dma_start3A_62 = arith.constant 0 : i32
          %dma_start3A_63 = tpu.memref_slice %arg7[%scan3A_48, %dma_start3A_62] : memref<112x128xi32, #tpu.memory_space<vmem>> -> memref<1x128xi32, #tpu.memory_space<vmem>>
          %dma_start3A_64 = tpu.memref_squeeze %dma_start3A_63 : memref<1x128xi32, #tpu.memory_space<vmem>> -> memref<128xi32, #tpu.memory_space<vmem>>
          %dma_start3A_65 = arith.constant 0 : i32
          %dma_start3A_66 = arith.constant 0 : i32
          %dma_start3A_67 = tpu.memref_slice %arg9[%dma_start3A_65, %dma_start3A_66] : memref<10240x128xf32, #tpu.memory_space<vmem_shared>> -> memref<10240x128xf32, #tpu.memory_space<vmem_shared>>
          tpu.enqueue_indirect_dma source(%arg8 : memref<128x128xf32, #tpu.memory_space<vmem>>) target(%dma_start3A_67 : memref<10240x128xf32, #tpu.memory_space<vmem_shared>>) offsets(%dma_start3A_64 : memref<128xi32, #tpu.memory_space<vmem>>) semaphore(%run_scoped3A : memref<!tpu.dma_semaphore, #tpu.memory_space<semaphore_mem>>) {add = true}
          %dma_wait3A_68 = arith.constant 0 : i32
          %dma_wait3A_69 = tpu.memref_slice %arg7[%scan3A_48, %dma_wait3A_68] : memref<112x128xi32, #tpu.memory_space<vmem>> -> memref<1x128xi32, #tpu.memory_space<vmem>>
          %dma_wait3A_70 = tpu.memref_squeeze %dma_wait3A_69 : memref<1x128xi32, #tpu.memory_space<vmem>> -> memref<128xi32, #tpu.memory_space<vmem>>
          %dma_wait3A_71 = arith.constant 0 : i32
          %dma_wait3A_72 = arith.constant 0 : i32
          %dma_wait3A_73 = tpu.memref_slice %arg9[%dma_wait3A_71, %dma_wait3A_72] : memref<10240x128xf32, #tpu.memory_space<vmem_shared>> -> memref<10240x128xf32, #tpu.memory_space<vmem_shared>>
          tpu.wait_indirect_dma semaphore(%run_scoped3A : memref<!tpu.dma_semaphore, #tpu.memory_space<semaphore_mem>>) src(%arg8 : memref<128x128xf32, #tpu.memory_space<vmem>>) dst(%dma_wait3A_73 : memref<10240x128xf32, #tpu.memory_space<vmem_shared>>)
          tpu.yield
        }) : () -> ()
      } else {
      }
      %scan3A_51 = arith.constant 0 : i32
      scf.yield %scan3A_51 : i32
    }
    %scan3A_42 = arith.constant 112 : i32
    %barrier3A_43 = arith.constant 0 : index
    tpu.barrier barrier_id(%barrier3A_43)
    %mul3A_44 = arith.constant 640 : i32
    %mul3A_45 = arith.muli %arg1, %mul3A_44 : i32
    %mul3A_46 = arith.constant 640 : i32
    %mul3A_47 = arith.muli %arg1, %mul3A_46 : i32
    "tpu.region"() ({
      %run_scoped3A = tpu.sem_alloc : memref<!tpu.dma_semaphore, #tpu.memory_space<semaphore_mem>>
      %dma_start3A = arith.constant 0 : i32
      %dma_start3A_48 = tpu.memref_slice %arg5[%arg0, %mul3A_47, %dma_start3A] : memref<2x10240x128xf32, #tpu.memory_space<hbm>> -> memref<1x640x128xf32, #tpu.memory_space<hbm>>
      %dma_start3A_49 = tpu.memref_squeeze %dma_start3A_48 : memref<1x640x128xf32, #tpu.memory_space<hbm>> -> memref<640x128xf32, #tpu.memory_space<hbm>>
      %dma_start3A_50 = arith.constant 0 : i32
      %dma_start3A_51 = tpu.memref_slice %arg9[%mul3A_45, %dma_start3A_50] : memref<10240x128xf32, #tpu.memory_space<vmem_shared>> -> memref<640x128xf32, #tpu.memory_space<vmem_shared>>
      tpu.enqueue_dma source(%dma_start3A_51 : memref<640x128xf32, #tpu.memory_space<vmem_shared>>) target(%dma_start3A_49 : memref<640x128xf32, #tpu.memory_space<hbm>>) target_semaphore(%run_scoped3A : memref<!tpu.dma_semaphore, #tpu.memory_space<semaphore_mem>>)
      %dma_wait3A = arith.constant 0 : i32
      %dma_wait3A_52 = tpu.memref_slice %arg5[%arg0, %mul3A_47, %dma_wait3A] : memref<2x10240x128xf32, #tpu.memory_space<hbm>> -> memref<1x640x128xf32, #tpu.memory_space<hbm>>
      %dma_wait3A_53 = tpu.memref_squeeze %dma_wait3A_52 : memref<1x640x128xf32, #tpu.memory_space<hbm>> -> memref<640x128xf32, #tpu.memory_space<hbm>>
      %dma_wait3A_54 = arith.constant 0 : i32
      %dma_wait3A_55 = tpu.memref_slice %arg9[%mul3A_45, %dma_wait3A_54] : memref<10240x128xf32, #tpu.memory_space<vmem_shared>> -> memref<640x128xf32, #tpu.memory_space<vmem_shared>>
      tpu.wait_dma2 semaphore(%run_scoped3A : memref<!tpu.dma_semaphore, #tpu.memory_space<semaphore_mem>>) src(%dma_wait3A_55 : memref<640x128xf32, #tpu.memory_space<vmem_shared>>) dst(%dma_wait3A_53 : memref<640x128xf32, #tpu.memory_space<hbm>>)
      tpu.yield
    }) : () -> ()
    return
  }
}

#map = affine_map<(d0, d1) -> (0, 0)>
#map1 = affine_map<(d0, d1) -> (0, 0, 0)>
module attributes {stable_mosaic.version = 14 : i64} {
  func.func @_conv_kernel(%arg0: i32, %arg1: i32, %arg2: memref<10240x128xf32, #tpu.memory_space<hbm>>, %arg3: memref<2624x128xi32, #tpu.memory_space<hbm>>, %arg4: memref<2624x128xi32, #tpu.memory_space<hbm>>, %arg5: memref<2x10240x128xf32, #tpu.memory_space<hbm>>, %arg6: memref<112x128xi32, #tpu.memory_space<vmem>>, %arg7: memref<112x128xi32, #tpu.memory_space<vmem>>, %arg8: memref<128x128xf32, #tpu.memory_space<vmem>>, %arg9: memref<10240x128xf32, #tpu.memory_space<vmem_shared>>, %arg10: memref<!tpu.dma_semaphore, #tpu.memory_space<semaphore_mem>>) attributes {dimension_semantics = [#tpu.dimension_semantics<core_parallel>, #tpu.dimension_semantics<subcore_parallel>], iteration_bounds = array<i64: 2, 16>, scalar_prefetch = 0 : i64, scratch_operands = 5 : i64, tpu.core_type = #tpu.core_type<sc_vector_subcore>, window_params = [{transform_indices = #map}, {transform_indices = #map}, {transform_indices = #map}, {transform_indices = #map1}]} {
    %eq3A = arith.constant 0 : i32
    %eq3A_0 = arith.cmpi eq, %arg0, %eq3A : i32
    %mul3A = arith.constant 112 : i32
    %mul3A_1 = arith.muli %arg1, %mul3A : i32
    %mul3A_2 = arith.constant 48 : i32
    %mul3A_3 = arith.muli %arg1, %mul3A_2 : i32
    %add3A = arith.constant 1792 : i32
    %add3A_4 = arith.addi %add3A, %mul3A_3 : i32
    %select_n3A = arith.select %eq3A_0, %mul3A_1, %add3A_4 : i32
    %eq3A_5 = arith.constant 0 : i32
    %eq3A_6 = arith.cmpi eq, %arg0, %eq3A_5 : i32
    %jit3A = arith.constant 112 : i32
    %jit3A_7 = arith.constant 48 : i32
    %select_n3A_8 = arith.select %eq3A_6, %jit3A, %jit3A_7 : i32
    %broadcast_in_dim3A = arith.constant 0.000000e+00 : f32
    %broadcast_in_dim3A_9 = vector.broadcast %broadcast_in_dim3A : f32 to vector<16xf32>
    %scan3A = arith.constant 0 : i32
    %scan3A_10 = arith.constant 0 : i32
    %scan3A_11 = arith.constant 128 : i32
    %scan3A_12 = arith.addi %scan3A_10, %scan3A_11 : i32
    %scan3A_13 = arith.constant 1 : i32
    %scan3A_14 = scf.for %scan3A_48 = %scan3A_10 to %scan3A_12 step %scan3A_13 iter_args(%scan3A_49 = %scan3A) -> (i32)  : i32 {
      %swap3A = arith.index_cast %scan3A_48 : i32 to index
      %swap3A_50 = arith.constant 0 : index
      %swap3A_51 = tpu.vector_load %arg8[%swap3A, %swap3A_50] {strides = array<i32>} : memref<128x128xf32, #tpu.memory_space<vmem>>, vector<1x16xf32>,
      %swap3A_52 = vector.shape_cast %swap3A_51 : vector<1x16xf32> to vector<16xf32>
      %swap3A_53 = vector.shape_cast %broadcast_in_dim3A_9 : vector<16xf32> to vector<1x16xf32>
      tpu.vector_store %arg8[%swap3A, %swap3A_50], %swap3A_53 {strides = array<i32>} : memref<128x128xf32, #tpu.memory_space<vmem>>, vector<1x16xf32>,
      %swap3A_54 = arith.index_cast %scan3A_48 : i32 to index
      %swap3A_55 = arith.constant 16 : index
      %swap3A_56 = tpu.vector_load %arg8[%swap3A_54, %swap3A_55] {strides = array<i32>} : memref<128x128xf32, #tpu.memory_space<vmem>>, vector<1x16xf32>,
      %swap3A_57 = vector.shape_cast %swap3A_56 : vector<1x16xf32> to vector<16xf32>
      %swap3A_58 = vector.shape_cast %broadcast_in_dim3A_9 : vector<16xf32> to vector<1x16xf32>
      tpu.vector_store %arg8[%swap3A_54, %swap3A_55], %swap3A_58 {strides = array<i32>} : memref<128x128xf32, #tpu.memory_space<vmem>>, vector<1x16xf32>,
      %swap3A_59 = arith.index_cast %scan3A_48 : i32 to index
      %swap3A_60 = arith.constant 32 : index
      %swap3A_61 = tpu.vector_load %arg8[%swap3A_59, %swap3A_60] {strides = array<i32>} : memref<128x128xf32, #tpu.memory_space<vmem>>, vector<1x16xf32>,
      %swap3A_62 = vector.shape_cast %swap3A_61 : vector<1x16xf32> to vector<16xf32>
      %swap3A_63 = vector.shape_cast %broadcast_in_dim3A_9 : vector<16xf32> to vector<1x16xf32>
      tpu.vector_store %arg8[%swap3A_59, %swap3A_60], %swap3A_63 {strides = array<i32>} : memref<128x128xf32, #tpu.memory_space<vmem>>, vector<1x16xf32>,
      %swap3A_64 = arith.index_cast %scan3A_48 : i32 to index
      %swap3A_65 = arith.constant 48 : index
      %swap3A_66 = tpu.vector_load %arg8[%swap3A_64, %swap3A_65] {strides = array<i32>} : memref<128x128xf32, #tpu.memory_space<vmem>>, vector<1x16xf32>,
      %swap3A_67 = vector.shape_cast %swap3A_66 : vector<1x16xf32> to vector<16xf32>
      %swap3A_68 = vector.shape_cast %broadcast_in_dim3A_9 : vector<16xf32> to vector<1x16xf32>
      tpu.vector_store %arg8[%swap3A_64, %swap3A_65], %swap3A_68 {strides = array<i32>} : memref<128x128xf32, #tpu.memory_space<vmem>>, vector<1x16xf32>,
      %swap3A_69 = arith.index_cast %scan3A_48 : i32 to index
      %swap3A_70 = arith.constant 64 : index
      %swap3A_71 = tpu.vector_load %arg8[%swap3A_69, %swap3A_70] {strides = array<i32>} : memref<128x128xf32, #tpu.memory_space<vmem>>, vector<1x16xf32>,
      %swap3A_72 = vector.shape_cast %swap3A_71 : vector<1x16xf32> to vector<16xf32>
      %swap3A_73 = vector.shape_cast %broadcast_in_dim3A_9 : vector<16xf32> to vector<1x16xf32>
      tpu.vector_store %arg8[%swap3A_69, %swap3A_70], %swap3A_73 {strides = array<i32>} : memref<128x128xf32, #tpu.memory_space<vmem>>, vector<1x16xf32>,
      %swap3A_74 = arith.index_cast %scan3A_48 : i32 to index
      %swap3A_75 = arith.constant 80 : index
      %swap3A_76 = tpu.vector_load %arg8[%swap3A_74, %swap3A_75] {strides = array<i32>} : memref<128x128xf32, #tpu.memory_space<vmem>>, vector<1x16xf32>,
      %swap3A_77 = vector.shape_cast %swap3A_76 : vector<1x16xf32> to vector<16xf32>
      %swap3A_78 = vector.shape_cast %broadcast_in_dim3A_9 : vector<16xf32> to vector<1x16xf32>
      tpu.vector_store %arg8[%swap3A_74, %swap3A_75], %swap3A_78 {strides = array<i32>} : memref<128x128xf32, #tpu.memory_space<vmem>>, vector<1x16xf32>,
      %swap3A_79 = arith.index_cast %scan3A_48 : i32 to index
      %swap3A_80 = arith.constant 96 : index
      %swap3A_81 = tpu.vector_load %arg8[%swap3A_79, %swap3A_80] {strides = array<i32>} : memref<128x128xf32, #tpu.memory_space<vmem>>, vector<1x16xf32>,
      %swap3A_82 = vector.shape_cast %swap3A_81 : vector<1x16xf32> to vector<16xf32>
      %swap3A_83 = vector.shape_cast %broadcast_in_dim3A_9 : vector<16xf32> to vector<1x16xf32>
      tpu.vector_store %arg8[%swap3A_79, %swap3A_80], %swap3A_83 {strides = array<i32>} : memref<128x128xf32, #tpu.memory_space<vmem>>, vector<1x16xf32>,
      %swap3A_84 = arith.index_cast %scan3A_48 : i32 to index
      %swap3A_85 = arith.constant 112 : index
      %swap3A_86 = tpu.vector_load %arg8[%swap3A_84, %swap3A_85] {strides = array<i32>} : memref<128x128xf32, #tpu.memory_space<vmem>>, vector<1x16xf32>,
      %swap3A_87 = vector.shape_cast %swap3A_86 : vector<1x16xf32> to vector<16xf32>
      %swap3A_88 = vector.shape_cast %broadcast_in_dim3A_9 : vector<16xf32> to vector<1x16xf32>
      tpu.vector_store %arg8[%swap3A_84, %swap3A_85], %swap3A_88 {strides = array<i32>} : memref<128x128xf32, #tpu.memory_space<vmem>>, vector<1x16xf32>,
      %scan3A_89 = arith.constant 0 : i32
      scf.yield %scan3A_89 : i32
    }
    %scan3A_15 = arith.constant 128 : i32
    %mul3A_16 = arith.constant 640 : i32
    %mul3A_17 = arith.muli %arg1, %mul3A_16 : i32
    %add3A_18 = arith.constant 0 : i32
    %add3A_19 = arith.addi %mul3A_17, %add3A_18 : i32
    "tpu.region"() ({
      %run_scoped3A = tpu.sem_alloc : memref<!tpu.dma_semaphore, #tpu.memory_space<semaphore_mem>>
      %dma_start3A = arith.constant 0 : i32
      %dma_start3A_48 = tpu.memref_slice %arg9[%add3A_19, %dma_start3A] : memref<10240x128xf32, #tpu.memory_space<vmem_shared>> -> memref<128x128xf32, #tpu.memory_space<vmem_shared>>
      %dma_start3A_49 = arith.constant 0 : i32
      %dma_start3A_50 = tpu.memref_slice %arg9[%add3A_19, %dma_start3A_49] : memref<10240x128xf32, #tpu.memory_space<vmem_shared>> -> memref<128x128xf32, #tpu.memory_space<vmem_shared>>
      tpu.enqueue_dma source(%arg8 : memref<128x128xf32, #tpu.memory_space<vmem>>) target(%dma_start3A_50 : memref<128x128xf32, #tpu.memory_space<vmem_shared>>) target_semaphore(%run_scoped3A : memref<!tpu.dma_semaphore, #tpu.memory_space<semaphore_mem>>)
      %dma_wait3A = arith.constant 0 : i32
      %dma_wait3A_51 = tpu.memref_slice %arg9[%add3A_19, %dma_wait3A] : memref<10240x128xf32, #tpu.memory_space<vmem_shared>> -> memref<128x128xf32, #tpu.memory_space<vmem_shared>>
      %dma_wait3A_52 = arith.constant 0 : i32
      %dma_wait3A_53 = tpu.memref_slice %arg9[%add3A_19, %dma_wait3A_52] : memref<10240x128xf32, #tpu.memory_space<vmem_shared>> -> memref<128x128xf32, #tpu.memory_space<vmem_shared>>
      tpu.wait_dma2 semaphore(%run_scoped3A : memref<!tpu.dma_semaphore, #tpu.memory_space<semaphore_mem>>) src(%arg8 : memref<128x128xf32, #tpu.memory_space<vmem>>) dst(%dma_wait3A_53 : memref<128x128xf32, #tpu.memory_space<vmem_shared>>)
      tpu.yield
    }) : () -> ()
    %mul3A_20 = arith.constant 640 : i32
    %mul3A_21 = arith.muli %arg1, %mul3A_20 : i32
    %add3A_22 = arith.constant 128 : i32
    %add3A_23 = arith.addi %mul3A_21, %add3A_22 : i32
    "tpu.region"() ({
      %run_scoped3A = tpu.sem_alloc : memref<!tpu.dma_semaphore, #tpu.memory_space<semaphore_mem>>
      %dma_start3A = arith.constant 0 : i32
      %dma_start3A_48 = tpu.memref_slice %arg9[%add3A_23, %dma_start3A] : memref<10240x128xf32, #tpu.memory_space<vmem_shared>> -> memref<128x128xf32, #tpu.memory_space<vmem_shared>>
      %dma_start3A_49 = arith.constant 0 : i32
      %dma_start3A_50 = tpu.memref_slice %arg9[%add3A_23, %dma_start3A_49] : memref<10240x128xf32, #tpu.memory_space<vmem_shared>> -> memref<128x128xf32, #tpu.memory_space<vmem_shared>>
      tpu.enqueue_dma source(%arg8 : memref<128x128xf32, #tpu.memory_space<vmem>>) target(%dma_start3A_50 : memref<128x128xf32, #tpu.memory_space<vmem_shared>>) target_semaphore(%run_scoped3A : memref<!tpu.dma_semaphore, #tpu.memory_space<semaphore_mem>>)
      %dma_wait3A = arith.constant 0 : i32
      %dma_wait3A_51 = tpu.memref_slice %arg9[%add3A_23, %dma_wait3A] : memref<10240x128xf32, #tpu.memory_space<vmem_shared>> -> memref<128x128xf32, #tpu.memory_space<vmem_shared>>
      %dma_wait3A_52 = arith.constant 0 : i32
      %dma_wait3A_53 = tpu.memref_slice %arg9[%add3A_23, %dma_wait3A_52] : memref<10240x128xf32, #tpu.memory_space<vmem_shared>> -> memref<128x128xf32, #tpu.memory_space<vmem_shared>>
      tpu.wait_dma2 semaphore(%run_scoped3A : memref<!tpu.dma_semaphore, #tpu.memory_space<semaphore_mem>>) src(%arg8 : memref<128x128xf32, #tpu.memory_space<vmem>>) dst(%dma_wait3A_53 : memref<128x128xf32, #tpu.memory_space<vmem_shared>>)
      tpu.yield
    }) : () -> ()
    %mul3A_24 = arith.constant 640 : i32
    %mul3A_25 = arith.muli %arg1, %mul3A_24 : i32
    %add3A_26 = arith.constant 256 : i32
    %add3A_27 = arith.addi %mul3A_25, %add3A_26 : i32
    "tpu.region"() ({
      %run_scoped3A = tpu.sem_alloc : memref<!tpu.dma_semaphore, #tpu.memory_space<semaphore_mem>>
      %dma_start3A = arith.constant 0 : i32
      %dma_start3A_48 = tpu.memref_slice %arg9[%add3A_27, %dma_start3A] : memref<10240x128xf32, #tpu.memory_space<vmem_shared>> -> memref<128x128xf32, #tpu.memory_space<vmem_shared>>
      %dma_start3A_49 = arith.constant 0 : i32
      %dma_start3A_50 = tpu.memref_slice %arg9[%add3A_27, %dma_start3A_49] : memref<10240x128xf32, #tpu.memory_space<vmem_shared>> -> memref<128x128xf32, #tpu.memory_space<vmem_shared>>
      tpu.enqueue_dma source(%arg8 : memref<128x128xf32, #tpu.memory_space<vmem>>) target(%dma_start3A_50 : memref<128x128xf32, #tpu.memory_space<vmem_shared>>) target_semaphore(%run_scoped3A : memref<!tpu.dma_semaphore, #tpu.memory_space<semaphore_mem>>)
      %dma_wait3A = arith.constant 0 : i32
      %dma_wait3A_51 = tpu.memref_slice %arg9[%add3A_27, %dma_wait3A] : memref<10240x128xf32, #tpu.memory_space<vmem_shared>> -> memref<128x128xf32, #tpu.memory_space<vmem_shared>>
      %dma_wait3A_52 = arith.constant 0 : i32
      %dma_wait3A_53 = tpu.memref_slice %arg9[%add3A_27, %dma_wait3A_52] : memref<10240x128xf32, #tpu.memory_space<vmem_shared>> -> memref<128x128xf32, #tpu.memory_space<vmem_shared>>
      tpu.wait_dma2 semaphore(%run_scoped3A : memref<!tpu.dma_semaphore, #tpu.memory_space<semaphore_mem>>) src(%arg8 : memref<128x128xf32, #tpu.memory_space<vmem>>) dst(%dma_wait3A_53 : memref<128x128xf32, #tpu.memory_space<vmem_shared>>)
      tpu.yield
    }) : () -> ()
    %mul3A_28 = arith.constant 640 : i32
    %mul3A_29 = arith.muli %arg1, %mul3A_28 : i32
    %add3A_30 = arith.constant 384 : i32
    %add3A_31 = arith.addi %mul3A_29, %add3A_30 : i32
    "tpu.region"() ({
      %run_scoped3A = tpu.sem_alloc : memref<!tpu.dma_semaphore, #tpu.memory_space<semaphore_mem>>
      %dma_start3A = arith.constant 0 : i32
      %dma_start3A_48 = tpu.memref_slice %arg9[%add3A_31, %dma_start3A] : memref<10240x128xf32, #tpu.memory_space<vmem_shared>> -> memref<128x128xf32, #tpu.memory_space<vmem_shared>>
      %dma_start3A_49 = arith.constant 0 : i32
      %dma_start3A_50 = tpu.memref_slice %arg9[%add3A_31, %dma_start3A_49] : memref<10240x128xf32, #tpu.memory_space<vmem_shared>> -> memref<128x128xf32, #tpu.memory_space<vmem_shared>>
      tpu.enqueue_dma source(%arg8 : memref<128x128xf32, #tpu.memory_space<vmem>>) target(%dma_start3A_50 : memref<128x128xf32, #tpu.memory_space<vmem_shared>>) target_semaphore(%run_scoped3A : memref<!tpu.dma_semaphore, #tpu.memory_space<semaphore_mem>>)
      %dma_wait3A = arith.constant 0 : i32
      %dma_wait3A_51 = tpu.memref_slice %arg9[%add3A_31, %dma_wait3A] : memref<10240x128xf32, #tpu.memory_space<vmem_shared>> -> memref<128x128xf32, #tpu.memory_space<vmem_shared>>
      %dma_wait3A_52 = arith.constant 0 : i32
      %dma_wait3A_53 = tpu.memref_slice %arg9[%add3A_31, %dma_wait3A_52] : memref<10240x128xf32, #tpu.memory_space<vmem_shared>> -> memref<128x128xf32, #tpu.memory_space<vmem_shared>>
      tpu.wait_dma2 semaphore(%run_scoped3A : memref<!tpu.dma_semaphore, #tpu.memory_space<semaphore_mem>>) src(%arg8 : memref<128x128xf32, #tpu.memory_space<vmem>>) dst(%dma_wait3A_53 : memref<128x128xf32, #tpu.memory_space<vmem_shared>>)
      tpu.yield
    }) : () -> ()
    %mul3A_32 = arith.constant 640 : i32
    %mul3A_33 = arith.muli %arg1, %mul3A_32 : i32
    %add3A_34 = arith.constant 512 : i32
    %add3A_35 = arith.addi %mul3A_33, %add3A_34 : i32
    "tpu.region"() ({
      %run_scoped3A = tpu.sem_alloc : memref<!tpu.dma_semaphore, #tpu.memory_space<semaphore_mem>>
      %dma_start3A = arith.constant 0 : i32
      %dma_start3A_48 = tpu.memref_slice %arg9[%add3A_35, %dma_start3A] : memref<10240x128xf32, #tpu.memory_space<vmem_shared>> -> memref<128x128xf32, #tpu.memory_space<vmem_shared>>
      %dma_start3A_49 = arith.constant 0 : i32
      %dma_start3A_50 = tpu.memref_slice %arg9[%add3A_35, %dma_start3A_49] : memref<10240x128xf32, #tpu.memory_space<vmem_shared>> -> memref<128x128xf32, #tpu.memory_space<vmem_shared>>
      tpu.enqueue_dma source(%arg8 : memref<128x128xf32, #tpu.memory_space<vmem>>) target(%dma_start3A_50 : memref<128x128xf32, #tpu.memory_space<vmem_shared>>) target_semaphore(%run_scoped3A : memref<!tpu.dma_semaphore, #tpu.memory_space<semaphore_mem>>)
      %dma_wait3A = arith.constant 0 : i32
      %dma_wait3A_51 = tpu.memref_slice %arg9[%add3A_35, %dma_wait3A] : memref<10240x128xf32, #tpu.memory_space<vmem_shared>> -> memref<128x128xf32, #tpu.memory_space<vmem_shared>>
      %dma_wait3A_52 = arith.constant 0 : i32
      %dma_wait3A_53 = tpu.memref_slice %arg9[%add3A_35, %dma_wait3A_52] : memref<10240x128xf32, #tpu.memory_space<vmem_shared>> -> memref<128x128xf32, #tpu.memory_space<vmem_shared>>
      tpu.wait_dma2 semaphore(%run_scoped3A : memref<!tpu.dma_semaphore, #tpu.memory_space<semaphore_mem>>) src(%arg8 : memref<128x128xf32, #tpu.memory_space<vmem>>) dst(%dma_wait3A_53 : memref<128x128xf32, #tpu.memory_space<vmem_shared>>)
      tpu.yield
    }) : () -> ()
    %barrier3A = arith.constant 0 : index
    tpu.barrier barrier_id(%barrier3A)
    "tpu.region"() ({
      %run_scoped3A = tpu.sem_alloc : memref<!tpu.dma_semaphore, #tpu.memory_space<semaphore_mem>>
      %dma_start3A = arith.constant 0 : i32
      %dma_start3A_48 = tpu.memref_slice %arg3[%select_n3A, %dma_start3A] : memref<2624x128xi32, #tpu.memory_space<hbm>> -> memref<112x128xi32, #tpu.memory_space<hbm>>
      %dma_start3A_49 = arith.constant 0 : i32
      %dma_start3A_50 = tpu.memref_slice %arg3[%select_n3A, %dma_start3A_49] : memref<2624x128xi32, #tpu.memory_space<hbm>> -> memref<112x128xi32, #tpu.memory_space<hbm>>
      tpu.enqueue_dma source(%dma_start3A_50 : memref<112x128xi32, #tpu.memory_space<hbm>>) target(%arg6 : memref<112x128xi32, #tpu.memory_space<vmem>>) target_semaphore(%run_scoped3A : memref<!tpu.dma_semaphore, #tpu.memory_space<semaphore_mem>>)
      %dma_wait3A = arith.constant 0 : i32
      %dma_wait3A_51 = tpu.memref_slice %arg3[%select_n3A, %dma_wait3A] : memref<2624x128xi32, #tpu.memory_space<hbm>> -> memref<112x128xi32, #tpu.memory_space<hbm>>
      %dma_wait3A_52 = arith.constant 0 : i32
      %dma_wait3A_53 = tpu.memref_slice %arg3[%select_n3A, %dma_wait3A_52] : memref<2624x128xi32, #tpu.memory_space<hbm>> -> memref<112x128xi32, #tpu.memory_space<hbm>>
      tpu.wait_dma2 semaphore(%run_scoped3A : memref<!tpu.dma_semaphore, #tpu.memory_space<semaphore_mem>>) src(%dma_wait3A_53 : memref<112x128xi32, #tpu.memory_space<hbm>>) dst(%arg6 : memref<112x128xi32, #tpu.memory_space<vmem>>)
      tpu.yield
    }) : () -> ()
    "tpu.region"() ({
      %run_scoped3A = tpu.sem_alloc : memref<!tpu.dma_semaphore, #tpu.memory_space<semaphore_mem>>
      %dma_start3A = arith.constant 0 : i32
      %dma_start3A_48 = tpu.memref_slice %arg4[%select_n3A, %dma_start3A] : memref<2624x128xi32, #tpu.memory_space<hbm>> -> memref<112x128xi32, #tpu.memory_space<hbm>>
      %dma_start3A_49 = arith.constant 0 : i32
      %dma_start3A_50 = tpu.memref_slice %arg4[%select_n3A, %dma_start3A_49] : memref<2624x128xi32, #tpu.memory_space<hbm>> -> memref<112x128xi32, #tpu.memory_space<hbm>>
      tpu.enqueue_dma source(%dma_start3A_50 : memref<112x128xi32, #tpu.memory_space<hbm>>) target(%arg7 : memref<112x128xi32, #tpu.memory_space<vmem>>) target_semaphore(%run_scoped3A : memref<!tpu.dma_semaphore, #tpu.memory_space<semaphore_mem>>)
      %dma_wait3A = arith.constant 0 : i32
      %dma_wait3A_51 = tpu.memref_slice %arg4[%select_n3A, %dma_wait3A] : memref<2624x128xi32, #tpu.memory_space<hbm>> -> memref<112x128xi32, #tpu.memory_space<hbm>>
      %dma_wait3A_52 = arith.constant 0 : i32
      %dma_wait3A_53 = tpu.memref_slice %arg4[%select_n3A, %dma_wait3A_52] : memref<2624x128xi32, #tpu.memory_space<hbm>> -> memref<112x128xi32, #tpu.memory_space<hbm>>
      tpu.wait_dma2 semaphore(%run_scoped3A : memref<!tpu.dma_semaphore, #tpu.memory_space<semaphore_mem>>) src(%dma_wait3A_53 : memref<112x128xi32, #tpu.memory_space<hbm>>) dst(%arg7 : memref<112x128xi32, #tpu.memory_space<vmem>>)
      tpu.yield
    }) : () -> ()
    %scan3A_36 = arith.constant 0 : i32
    %scan3A_37 = arith.constant 0 : i32
    %scan3A_38 = arith.constant 112 : i32
    %scan3A_39 = arith.addi %scan3A_37, %scan3A_38 : i32
    %scan3A_40 = arith.constant 1 : i32
    %scan3A_41 = scf.for %scan3A_48 = %scan3A_37 to %scan3A_39 step %scan3A_40 iter_args(%scan3A_49 = %scan3A_36) -> (i32)  : i32 {
      %lt3A = arith.cmpi slt, %scan3A_48, %select_n3A_8 : i32
      %convert_element_type3A = arith.extui %lt3A : i1 to i32
      %cond3A = arith.constant 0 : i32
      %cond3A_50 = arith.cmpi ne, %convert_element_type3A, %cond3A : i32
      scf.if %cond3A_50 {
        %dma_start3A = arith.constant 0 : i32
        %dma_start3A_52 = tpu.memref_slice %arg6[%scan3A_48, %dma_start3A] : memref<112x128xi32, #tpu.memory_space<vmem>> -> memref<1x128xi32, #tpu.memory_space<vmem>>
        %dma_start3A_53 = tpu.memref_squeeze %dma_start3A_52 : memref<1x128xi32, #tpu.memory_space<vmem>> -> memref<128xi32, #tpu.memory_space<vmem>>
        %dma_start3A_54 = arith.constant 0 : i32
        %dma_start3A_55 = arith.constant 0 : i32
        %dma_start3A_56 = tpu.memref_slice %arg2[%dma_start3A_54, %dma_start3A_55] : memref<10240x128xf32, #tpu.memory_space<hbm>> -> memref<10240x128xf32, #tpu.memory_space<hbm>>
        tpu.enqueue_indirect_dma source(%dma_start3A_56 : memref<10240x128xf32, #tpu.memory_space<hbm>>) target(%arg8 : memref<128x128xf32, #tpu.memory_space<vmem>>) offsets(%dma_start3A_53 : memref<128xi32, #tpu.memory_space<vmem>>) semaphore(%arg10 : memref<!tpu.dma_semaphore, #tpu.memory_space<semaphore_mem>>)
        %dma_wait3A = arith.constant 0 : i32
        %dma_wait3A_57 = tpu.memref_slice %arg6[%scan3A_48, %dma_wait3A] : memref<112x128xi32, #tpu.memory_space<vmem>> -> memref<1x128xi32, #tpu.memory_space<vmem>>
        %dma_wait3A_58 = tpu.memref_squeeze %dma_wait3A_57 : memref<1x128xi32, #tpu.memory_space<vmem>> -> memref<128xi32, #tpu.memory_space<vmem>>
        %dma_wait3A_59 = arith.constant 0 : i32
        %dma_wait3A_60 = arith.constant 0 : i32
        %dma_wait3A_61 = tpu.memref_slice %arg2[%dma_wait3A_59, %dma_wait3A_60] : memref<10240x128xf32, #tpu.memory_space<hbm>> -> memref<10240x128xf32, #tpu.memory_space<hbm>>
        tpu.wait_indirect_dma semaphore(%arg10 : memref<!tpu.dma_semaphore, #tpu.memory_space<semaphore_mem>>) src(%dma_wait3A_61 : memref<10240x128xf32, #tpu.memory_space<hbm>>) dst(%arg8 : memref<128x128xf32, #tpu.memory_space<vmem>>)
        "tpu.region"() ({
          %run_scoped3A = tpu.sem_alloc : memref<!tpu.dma_semaphore, #tpu.memory_space<semaphore_mem>>
          %dma_start3A_62 = arith.constant 0 : i32
          %dma_start3A_63 = tpu.memref_slice %arg7[%scan3A_48, %dma_start3A_62] : memref<112x128xi32, #tpu.memory_space<vmem>> -> memref<1x128xi32, #tpu.memory_space<vmem>>
          %dma_start3A_64 = tpu.memref_squeeze %dma_start3A_63 : memref<1x128xi32, #tpu.memory_space<vmem>> -> memref<128xi32, #tpu.memory_space<vmem>>
          %dma_start3A_65 = arith.constant 0 : i32
          %dma_start3A_66 = arith.constant 0 : i32
          %dma_start3A_67 = tpu.memref_slice %arg9[%dma_start3A_65, %dma_start3A_66] : memref<10240x128xf32, #tpu.memory_space<vmem_shared>> -> memref<10240x128xf32, #tpu.memory_space<vmem_shared>>
          tpu.enqueue_indirect_dma source(%arg8 : memref<128x128xf32, #tpu.memory_space<vmem>>) target(%dma_start3A_67 : memref<10240x128xf32, #tpu.memory_space<vmem_shared>>) offsets(%dma_start3A_64 : memref<128xi32, #tpu.memory_space<vmem>>) semaphore(%run_scoped3A : memref<!tpu.dma_semaphore, #tpu.memory_space<semaphore_mem>>) {add = true}
          %dma_wait3A_68 = arith.constant 0 : i32
          %dma_wait3A_69 = tpu.memref_slice %arg7[%scan3A_48, %dma_wait3A_68] : memref<112x128xi32, #tpu.memory_space<vmem>> -> memref<1x128xi32, #tpu.memory_space<vmem>>
          %dma_wait3A_70 = tpu.memref_squeeze %dma_wait3A_69 : memref<1x128xi32, #tpu.memory_space<vmem>> -> memref<128xi32, #tpu.memory_space<vmem>>
          %dma_wait3A_71 = arith.constant 0 : i32
          %dma_wait3A_72 = arith.constant 0 : i32
          %dma_wait3A_73 = tpu.memref_slice %arg9[%dma_wait3A_71, %dma_wait3A_72] : memref<10240x128xf32, #tpu.memory_space<vmem_shared>> -> memref<10240x128xf32, #tpu.memory_space<vmem_shared>>
          tpu.wait_indirect_dma semaphore(%run_scoped3A : memref<!tpu.dma_semaphore, #tpu.memory_space<semaphore_mem>>) src(%arg8 : memref<128x128xf32, #tpu.memory_space<vmem>>) dst(%dma_wait3A_73 : memref<10240x128xf32, #tpu.memory_space<vmem_shared>>)
          tpu.yield
        }) : () -> ()
      } else {
      }
      %scan3A_51 = arith.constant 0 : i32
      scf.yield %scan3A_51 : i32
    }
    %scan3A_42 = arith.constant 112 : i32
    %barrier3A_43 = arith.constant 0 : index
    tpu.barrier barrier_id(%barrier3A_43)
    %mul3A_44 = arith.constant 640 : i32
    %mul3A_45 = arith.muli %arg1, %mul3A_44 : i32
    %mul3A_46 = arith.constant 640 : i32
    %mul3A_47 = arith.muli %arg1, %mul3A_46 : i32
    "tpu.region"() ({
      %run_scoped3A = tpu.sem_alloc : memref<!tpu.dma_semaphore, #tpu.memory_space<semaphore_mem>>
      %dma_start3A = arith.constant 0 : i32
      %dma_start3A_48 = tpu.memref_slice %arg5[%arg0, %mul3A_47, %dma_start3A] : memref<2x10240x128xf32, #tpu.memory_space<hbm>> -> memref<1x640x128xf32, #tpu.memory_space<hbm>>
      %dma_start3A_49 = tpu.memref_squeeze %dma_start3A_48 : memref<1x640x128xf32, #tpu.memory_space<hbm>> -> memref<640x128xf32, #tpu.memory_space<hbm>>
      %dma_start3A_50 = arith.constant 0 : i32
      %dma_start3A_51 = tpu.memref_slice %arg9[%mul3A_45, %dma_start3A_50] : memref<10240x128xf32, #tpu.memory_space<vmem_shared>> -> memref<640x128xf32, #tpu.memory_space<vmem_shared>>
      tpu.enqueue_dma source(%dma_start3A_51 : memref<640x128xf32, #tpu.memory_space<vmem_shared>>) target(%dma_start3A_49 : memref<640x128xf32, #tpu.memory_space<hbm>>) target_semaphore(%run_scoped3A : memref<!tpu.dma_semaphore, #tpu.memory_space<semaphore_mem>>)
      %dma_wait3A = arith.constant 0 : i32
      %dma_wait3A_52 = tpu.memref_slice %arg5[%arg0, %mul3A_47, %dma_wait3A] : memref<2x10240x128xf32, #tpu.memory_space<hbm>> -> memref<1x640x128xf32, #tpu.memory_space<hbm>>
      %dma_wait3A_53 = tpu.memref_squeeze %dma_wait3A_52 : memref<1x640x128xf32, #tpu.memory_space<hbm>> -> memref<640x128xf32, #tpu.memory_space<hbm>>
      %dma_wait3A_54 = arith.constant 0 : i32
      %dma_wait3A_55 = tpu.memref_slice %arg9[%mul3A_45, %dma_wait3A_54] : memref<10240x128xf32, #tpu.memory_space<vmem_shared>> -> memref<640x128xf32, #tpu.memory_space<vmem_shared>>
      tpu.wait_dma2 semaphore(%run_scoped3A : memref<!tpu.dma_semaphore, #tpu.memory_space<semaphore_mem>>) src(%dma_wait3A_55 : memref<640x128xf32, #tpu.memory_space<vmem_shared>>) dst(%dma_wait3A_53 : memref<640x128xf32, #tpu.memory_space<hbm>>)
      tpu.yield
    }) : () -> ()
    return
  }
}

#map = affine_map<(d0, d1) -> (0, 0)>
module attributes {stable_mosaic.version = 14 : i64} {
  func.func @_ugather_kernel(%arg0: i32, %arg1: i32, %arg2: memref<10240x128xf32, #tpu.memory_space<hbm>>, %arg3: memref<32x32xi32, #tpu.memory_space<hbm>>, %arg4: memref<1024x128xf32, #tpu.memory_space<hbm>>, %arg5: memref<32xi32, #tpu.memory_space<vmem>>, %arg6: memref<32x128xf32, #tpu.memory_space<vmem>>, %arg7: memref<!tpu.dma_semaphore, #tpu.memory_space<semaphore_mem>>) attributes {dimension_semantics = [#tpu.dimension_semantics<core_parallel>, #tpu.dimension_semantics<subcore_parallel>], iteration_bounds = array<i64: 2, 16>, scalar_prefetch = 0 : i64, scratch_operands = 3 : i64, tpu.core_type = #tpu.core_type<sc_vector_subcore>, window_params = [{transform_indices = #map}, {transform_indices = #map}, {transform_indices = #map}]} {
    %mul3A = arith.constant 16 : i32
    %mul3A_0 = arith.muli %arg0, %mul3A : i32
    %add3A = arith.addi %mul3A_0, %arg1 : i32
    "tpu.region"() ({
      %run_scoped3A = tpu.sem_alloc : memref<!tpu.dma_semaphore, #tpu.memory_space<semaphore_mem>>
      %dma_start3A_7 = arith.constant 0 : i32
      %dma_start3A_8 = tpu.memref_slice %arg3[%add3A, %dma_start3A_7] : memref<32x32xi32, #tpu.memory_space<hbm>> -> memref<1x32xi32, #tpu.memory_space<hbm>>
      %dma_start3A_9 = tpu.memref_squeeze %dma_start3A_8 : memref<1x32xi32, #tpu.memory_space<hbm>> -> memref<32xi32, #tpu.memory_space<hbm>>
      %dma_start3A_10 = arith.constant 0 : i32
      %dma_start3A_11 = tpu.memref_slice %arg3[%add3A, %dma_start3A_10] : memref<32x32xi32, #tpu.memory_space<hbm>> -> memref<1x32xi32, #tpu.memory_space<hbm>>
      %dma_start3A_12 = tpu.memref_squeeze %dma_start3A_11 : memref<1x32xi32, #tpu.memory_space<hbm>> -> memref<32xi32, #tpu.memory_space<hbm>>
      tpu.enqueue_dma source(%dma_start3A_12 : memref<32xi32, #tpu.memory_space<hbm>>) target(%arg5 : memref<32xi32, #tpu.memory_space<vmem>>) target_semaphore(%run_scoped3A : memref<!tpu.dma_semaphore, #tpu.memory_space<semaphore_mem>>)
      %dma_wait3A_13 = arith.constant 0 : i32
      %dma_wait3A_14 = tpu.memref_slice %arg3[%add3A, %dma_wait3A_13] : memref<32x32xi32, #tpu.memory_space<hbm>> -> memref<1x32xi32, #tpu.memory_space<hbm>>
      %dma_wait3A_15 = tpu.memref_squeeze %dma_wait3A_14 : memref<1x32xi32, #tpu.memory_space<hbm>> -> memref<32xi32, #tpu.memory_space<hbm>>
      %dma_wait3A_16 = arith.constant 0 : i32
      %dma_wait3A_17 = tpu.memref_slice %arg3[%add3A, %dma_wait3A_16] : memref<32x32xi32, #tpu.memory_space<hbm>> -> memref<1x32xi32, #tpu.memory_space<hbm>>
      %dma_wait3A_18 = tpu.memref_squeeze %dma_wait3A_17 : memref<1x32xi32, #tpu.memory_space<hbm>> -> memref<32xi32, #tpu.memory_space<hbm>>
      tpu.wait_dma2 semaphore(%run_scoped3A : memref<!tpu.dma_semaphore, #tpu.memory_space<semaphore_mem>>) src(%dma_wait3A_18 : memref<32xi32, #tpu.memory_space<hbm>>) dst(%arg5 : memref<32xi32, #tpu.memory_space<vmem>>)
      tpu.yield
    }) : () -> ()
    %dma_start3A = arith.constant 0 : i32
    %dma_start3A_1 = arith.constant 0 : i32
    %dma_start3A_2 = tpu.memref_slice %arg2[%dma_start3A, %dma_start3A_1] : memref<10240x128xf32, #tpu.memory_space<hbm>> -> memref<10240x128xf32, #tpu.memory_space<hbm>>
    tpu.enqueue_indirect_dma source(%dma_start3A_2 : memref<10240x128xf32, #tpu.memory_space<hbm>>) target(%arg6 : memref<32x128xf32, #tpu.memory_space<vmem>>) offsets(%arg5 : memref<32xi32, #tpu.memory_space<vmem>>) semaphore(%arg7 : memref<!tpu.dma_semaphore, #tpu.memory_space<semaphore_mem>>)
    %dma_wait3A = arith.constant 0 : i32
    %dma_wait3A_3 = arith.constant 0 : i32
    %dma_wait3A_4 = tpu.memref_slice %arg2[%dma_wait3A, %dma_wait3A_3] : memref<10240x128xf32, #tpu.memory_space<hbm>> -> memref<10240x128xf32, #tpu.memory_space<hbm>>
    tpu.wait_indirect_dma semaphore(%arg7 : memref<!tpu.dma_semaphore, #tpu.memory_space<semaphore_mem>>) src(%dma_wait3A_4 : memref<10240x128xf32, #tpu.memory_space<hbm>>) dst(%arg6 : memref<32x128xf32, #tpu.memory_space<vmem>>)
    %mul3A_5 = arith.constant 32 : i32
    %mul3A_6 = arith.muli %add3A, %mul3A_5 : i32
    "tpu.region"() ({
      %run_scoped3A = tpu.sem_alloc : memref<!tpu.dma_semaphore, #tpu.memory_space<semaphore_mem>>
      %dma_start3A_7 = arith.constant 0 : i32
      %dma_start3A_8 = tpu.memref_slice %arg4[%mul3A_6, %dma_start3A_7] : memref<1024x128xf32, #tpu.memory_space<hbm>> -> memref<32x128xf32, #tpu.memory_space<hbm>>
      %dma_start3A_9 = arith.constant 0 : i32
      %dma_start3A_10 = tpu.memref_slice %arg4[%mul3A_6, %dma_start3A_9] : memref<1024x128xf32, #tpu.memory_space<hbm>> -> memref<32x128xf32, #tpu.memory_space<hbm>>
      tpu.enqueue_dma source(%arg6 : memref<32x128xf32, #tpu.memory_space<vmem>>) target(%dma_start3A_10 : memref<32x128xf32, #tpu.memory_space<hbm>>) target_semaphore(%run_scoped3A : memref<!tpu.dma_semaphore, #tpu.memory_space<semaphore_mem>>)
      %dma_wait3A_11 = arith.constant 0 : i32
      %dma_wait3A_12 = tpu.memref_slice %arg4[%mul3A_6, %dma_wait3A_11] : memref<1024x128xf32, #tpu.memory_space<hbm>> -> memref<32x128xf32, #tpu.memory_space<hbm>>
      %dma_wait3A_13 = arith.constant 0 : i32
      %dma_wait3A_14 = tpu.memref_slice %arg4[%mul3A_6, %dma_wait3A_13] : memref<1024x128xf32, #tpu.memory_space<hbm>> -> memref<32x128xf32, #tpu.memory_space<hbm>>
      tpu.wait_dma2 semaphore(%run_scoped3A : memref<!tpu.dma_semaphore, #tpu.memory_space<semaphore_mem>>) src(%arg6 : memref<32x128xf32, #tpu.memory_space<vmem>>) dst(%dma_wait3A_14 : memref<32x128xf32, #tpu.memory_space<hbm>>)
      tpu.yield
    }) : () -> ()
    return
  }
}

module attributes {stable_mosaic.version = 14 : i64} {
  func.func @_layer1_body(%arg0: i32, %arg1: memref<2x1280x128xf32, #tpu.memory_space<vmem>>, %arg2: memref<2x1280x128xf32, #tpu.memory_space<vmem>>, %arg3: memref<128x128xf32, #tpu.memory_space<vmem>>, %arg4: memref<1280x128xf32, #tpu.memory_space<vmem>>) attributes {dimension_semantics = [#tpu.dimension_semantics<arbitrary>], iteration_bounds = array<i64: 8>, scalar_prefetch = 0 : i64, scratch_operands = 0 : i64, tpu.core_type = #tpu.core_type<tc>, window_params = [{transform_indices = @transform_0, window_bounds = array<i64: 2, 1280, 128>}, {transform_indices = @transform_1, window_bounds = array<i64: 2, 1280, 128>}, {pipeline_mode = #tpu.pipeline_mode<synchronous>, transform_indices = @transform_2, window_bounds = array<i64: 128, 128>}, {transform_indices = @transform_3, window_bounds = array<i64: 1280, 128>}]} {
    %get3A = arith.constant 0 : index
    %get3A_0 = arith.constant 0 : index
    %get3A_1 = arith.constant 0 : index
    %get3A_2 = vector.load %arg1[%get3A, %get3A_0, %get3A_1] : memref<2x1280x128xf32, #tpu.memory_space<vmem>>, vector<1x1280x1xf32>
    %get3A_3 = vector.shape_cast %get3A_2 : vector<1x1280x1xf32> to vector<1280x1xf32>
    %get3A_4 = arith.constant 1 : index
    %get3A_5 = arith.constant 0 : index
    %get3A_6 = arith.constant 0 : index
    %get3A_7 = vector.load %arg1[%get3A_4, %get3A_5, %get3A_6] : memref<2x1280x128xf32, #tpu.memory_space<vmem>>, vector<1x1280x1xf32>
    %get3A_8 = vector.shape_cast %get3A_7 : vector<1x1280x1xf32> to vector<1280x1xf32>
    %add3A = arith.addf %get3A_3, %get3A_8 : vector<1280x1xf32>
    %max3A = arith.constant 1.000000e+00 : f32
    %max3A_9 = vector.broadcast %max3A : f32 to vector<1280x1xf32>
    %max3A_10 = arith.maximumf %add3A, %max3A_9 : vector<1280x1xf32>
    %rsqrt3A = math.rsqrt %max3A_10 : vector<1280x1xf32>
    %get3A_11 = arith.constant 0 : index
    %get3A_12 = arith.constant 0 : index
    %get3A_13 = arith.constant 0 : index
    %get3A_14 = vector.load %arg2[%get3A_11, %get3A_12, %get3A_13] : memref<2x1280x128xf32, #tpu.memory_space<vmem>>, vector<1x1280x128xf32>
    %get3A_15 = vector.shape_cast %get3A_14 : vector<1x1280x128xf32> to vector<1280x128xf32>
    %get3A_16 = arith.constant 1 : index
    %get3A_17 = arith.constant 0 : index
    %get3A_18 = arith.constant 0 : index
    %get3A_19 = vector.load %arg2[%get3A_16, %get3A_17, %get3A_18] : memref<2x1280x128xf32, #tpu.memory_space<vmem>>, vector<1x1280x128xf32>
    %get3A_20 = vector.shape_cast %get3A_19 : vector<1x1280x128xf32> to vector<1280x128xf32>
    %add3A_21 = arith.addf %get3A_15, %get3A_20 : vector<1280x128xf32>
    %mul3A = vector.broadcast %rsqrt3A : vector<1280x1xf32> to vector<1280x128xf32>
    %mul3A_22 = arith.mulf %add3A_21, %mul3A : vector<1280x128xf32>
    %get3A_23 = arith.constant 0 : index
    %get3A_24 = arith.constant 0 : index
    %get3A_25 = vector.load %arg3[%get3A_23, %get3A_24] : memref<128x128xf32, #tpu.memory_space<vmem>>, vector<128x128xf32>
    %dot_general3A = arith.constant dense<0.000000e+00> : vector<1280x128xf32>
    %dot_general3A_26 = tpu.matmul %mul3A_22, %get3A_25, %dot_general3A {dimension_numbers = #tpu.dot_dimension_numbers<[1], [0], [0], [1], [0, 0, 1, 1], [], []>, precision = #tpu.contract_precision<fp32>, transpose_lhs_hint = false} : vector<1280x128xf32>, vector<128x128xf32>, vector<1280x128xf32> -> vector<1280x128xf32>
    %max3A_27 = arith.constant 0.000000e+00 : f32
    %max3A_28 = vector.broadcast %max3A_27 : f32 to vector<1280x128xf32>
    %max3A_29 = arith.maximumf %dot_general3A_26, %max3A_28 : vector<1280x128xf32>
    %mul3A_30 = vector.broadcast %rsqrt3A : vector<1280x1xf32> to vector<1280x128xf32>
    %mul3A_31 = arith.mulf %max3A_29, %mul3A_30 : vector<1280x128xf32>
    %swap3A = arith.constant 0 : index
    %swap3A_32 = arith.constant 0 : index
    %swap3A_33 = vector.load %arg4[%swap3A, %swap3A_32] : memref<1280x128xf32, #tpu.memory_space<vmem>>, vector<1280x128xf32>
    tpu.vector_store %arg4[%swap3A, %swap3A_32], %mul3A_31 {strides = array<i32>} : memref<1280x128xf32, #tpu.memory_space<vmem>>, vector<1280x128xf32>,
    return
  }
  func.func @transform_0(%arg0: i32) -> (i32, i32, i32) {
    %c0_i32 = arith.constant 0 : i32
    %c0_i32_0 = arith.constant 0 : i32
    %c0_i32_1 = arith.constant 0 : i32
    return %c0_i32, %arg0, %c0_i32_0 : i32, i32, i32
  }
  func.func @transform_1(%arg0: i32) -> (i32, i32, i32) {
    %c0_i32 = arith.constant 0 : i32
    %c0_i32_0 = arith.constant 0 : i32
    %c0_i32_1 = arith.constant 0 : i32
    return %c0_i32, %arg0, %c0_i32_0 : i32, i32, i32
  }
  func.func @transform_2(%arg0: i32) -> (i32, i32) {
    %c0_i32 = arith.constant 0 : i32
    %c0_i32_0 = arith.constant 0 : i32
    %c0_i32_1 = arith.constant 0 : i32
    return %c0_i32, %c0_i32_0 : i32, i32
  }
  func.func @transform_3(%arg0: i32) -> (i32, i32) {
    %c0_i32 = arith.constant 0 : i32
    %c0_i32_0 = arith.constant 0 : i32
    return %arg0, %c0_i32 : i32, i32
  }
}

module attributes {stable_mosaic.version = 14 : i64} {
  func.func @_prescale_body(%arg0: i32, %arg1: memref<2x1280x128xf32, #tpu.memory_space<vmem>>, %arg2: memref<1280x128xf32, #tpu.memory_space<vmem>>, %arg3: memref<1280x128xf32, #tpu.memory_space<vmem>>) attributes {dimension_semantics = [#tpu.dimension_semantics<arbitrary>], iteration_bounds = array<i64: 8>, scalar_prefetch = 0 : i64, scratch_operands = 0 : i64, tpu.core_type = #tpu.core_type<tc>, window_params = [{transform_indices = @transform_0, window_bounds = array<i64: 2, 1280, 128>}, {transform_indices = @transform_1, window_bounds = array<i64: 1280, 128>}, {transform_indices = @transform_2, window_bounds = array<i64: 1280, 128>}]} {
    %get3A = arith.constant 0 : index
    %get3A_0 = arith.constant 0 : index
    %get3A_1 = vector.load %arg2[%get3A, %get3A_0] : memref<1280x128xf32, #tpu.memory_space<vmem>>, vector<1280x128xf32>
    %get3A_2 = arith.constant 0 : index
    %get3A_3 = arith.constant 0 : index
    %get3A_4 = arith.constant 0 : index
    %get3A_5 = vector.load %arg1[%get3A_2, %get3A_3, %get3A_4] : memref<2x1280x128xf32, #tpu.memory_space<vmem>>, vector<1x1280x1xf32>
    %get3A_6 = vector.shape_cast %get3A_5 : vector<1x1280x1xf32> to vector<1280x1xf32>
    %get3A_7 = arith.constant 1 : index
    %get3A_8 = arith.constant 0 : index
    %get3A_9 = arith.constant 0 : index
    %get3A_10 = vector.load %arg1[%get3A_7, %get3A_8, %get3A_9] : memref<2x1280x128xf32, #tpu.memory_space<vmem>>, vector<1x1280x1xf32>
    %get3A_11 = vector.shape_cast %get3A_10 : vector<1x1280x1xf32> to vector<1280x1xf32>
    %add3A = arith.addf %get3A_6, %get3A_11 : vector<1280x1xf32>
    %max3A = arith.constant 1.000000e+00 : f32
    %max3A_12 = vector.broadcast %max3A : f32 to vector<1280x1xf32>
    %max3A_13 = arith.maximumf %add3A, %max3A_12 : vector<1280x1xf32>
    %rsqrt3A = math.rsqrt %max3A_13 : vector<1280x1xf32>
    %mul3A = vector.broadcast %rsqrt3A : vector<1280x1xf32> to vector<1280x128xf32>
    %mul3A_14 = arith.mulf %get3A_1, %mul3A : vector<1280x128xf32>
    %swap3A = arith.constant 0 : index
    %swap3A_15 = arith.constant 0 : index
    %swap3A_16 = vector.load %arg3[%swap3A, %swap3A_15] : memref<1280x128xf32, #tpu.memory_space<vmem>>, vector<1280x128xf32>
    tpu.vector_store %arg3[%swap3A, %swap3A_15], %mul3A_14 {strides = array<i32>} : memref<1280x128xf32, #tpu.memory_space<vmem>>, vector<1280x128xf32>,
    return
  }
  func.func @transform_0(%arg0: i32) -> (i32, i32, i32) {
    %c0_i32 = arith.constant 0 : i32
    %c0_i32_0 = arith.constant 0 : i32
    %c0_i32_1 = arith.constant 0 : i32
    return %c0_i32, %arg0, %c0_i32_0 : i32, i32, i32
  }
  func.func @transform_1(%arg0: i32) -> (i32, i32) {
    %c0_i32 = arith.constant 0 : i32
    %c0_i32_0 = arith.constant 0 : i32
    return %arg0, %c0_i32 : i32, i32
  }
  func.func @transform_2(%arg0: i32) -> (i32, i32) {
    %c0_i32 = arith.constant 0 : i32
    %c0_i32_0 = arith.constant 0 : i32
    return %arg0, %c0_i32 : i32, i32
  }
}

module attributes {stable_mosaic.version = 14 : i64} {
  func.func @_layer2_body(%arg0: i32, %arg1: memref<2x1280x128xf32, #tpu.memory_space<vmem>>, %arg2: memref<2x1280x128xf32, #tpu.memory_space<vmem>>, %arg3: memref<128x128xf32, #tpu.memory_space<vmem>>, %arg4: memref<1280x128xf32, #tpu.memory_space<vmem>>) attributes {dimension_semantics = [#tpu.dimension_semantics<arbitrary>], iteration_bounds = array<i64: 8>, scalar_prefetch = 0 : i64, scratch_operands = 0 : i64, tpu.core_type = #tpu.core_type<tc>, window_params = [{transform_indices = @transform_0, window_bounds = array<i64: 2, 1280, 128>}, {transform_indices = @transform_1, window_bounds = array<i64: 2, 1280, 128>}, {pipeline_mode = #tpu.pipeline_mode<synchronous>, transform_indices = @transform_2, window_bounds = array<i64: 128, 128>}, {transform_indices = @transform_3, window_bounds = array<i64: 1280, 128>}]} {
    %get3A = arith.constant 0 : index
    %get3A_0 = arith.constant 0 : index
    %get3A_1 = arith.constant 0 : index
    %get3A_2 = vector.load %arg1[%get3A, %get3A_0, %get3A_1] : memref<2x1280x128xf32, #tpu.memory_space<vmem>>, vector<1x1280x1xf32>
    %get3A_3 = vector.shape_cast %get3A_2 : vector<1x1280x1xf32> to vector<1280x1xf32>
    %get3A_4 = arith.constant 1 : index
    %get3A_5 = arith.constant 0 : index
    %get3A_6 = arith.constant 0 : index
    %get3A_7 = vector.load %arg1[%get3A_4, %get3A_5, %get3A_6] : memref<2x1280x128xf32, #tpu.memory_space<vmem>>, vector<1x1280x1xf32>
    %get3A_8 = vector.shape_cast %get3A_7 : vector<1x1280x1xf32> to vector<1280x1xf32>
    %add3A = arith.addf %get3A_3, %get3A_8 : vector<1280x1xf32>
    %max3A = arith.constant 1.000000e+00 : f32
    %max3A_9 = vector.broadcast %max3A : f32 to vector<1280x1xf32>
    %max3A_10 = arith.maximumf %add3A, %max3A_9 : vector<1280x1xf32>
    %rsqrt3A = math.rsqrt %max3A_10 : vector<1280x1xf32>
    %get3A_11 = arith.constant 0 : index
    %get3A_12 = arith.constant 0 : index
    %get3A_13 = arith.constant 0 : index
    %get3A_14 = vector.load %arg2[%get3A_11, %get3A_12, %get3A_13] : memref<2x1280x128xf32, #tpu.memory_space<vmem>>, vector<1x1280x128xf32>
    %get3A_15 = vector.shape_cast %get3A_14 : vector<1x1280x128xf32> to vector<1280x128xf32>
    %get3A_16 = arith.constant 1 : index
    %get3A_17 = arith.constant 0 : index
    %get3A_18 = arith.constant 0 : index
    %get3A_19 = vector.load %arg2[%get3A_16, %get3A_17, %get3A_18] : memref<2x1280x128xf32, #tpu.memory_space<vmem>>, vector<1x1280x128xf32>
    %get3A_20 = vector.shape_cast %get3A_19 : vector<1x1280x128xf32> to vector<1280x128xf32>
    %add3A_21 = arith.addf %get3A_15, %get3A_20 : vector<1280x128xf32>
    %mul3A = vector.broadcast %rsqrt3A : vector<1280x1xf32> to vector<1280x128xf32>
    %mul3A_22 = arith.mulf %add3A_21, %mul3A : vector<1280x128xf32>
    %get3A_23 = arith.constant 0 : index
    %get3A_24 = arith.constant 0 : index
    %get3A_25 = vector.load %arg3[%get3A_23, %get3A_24] : memref<128x128xf32, #tpu.memory_space<vmem>>, vector<128x128xf32>
    %dot_general3A = arith.constant dense<0.000000e+00> : vector<1280x128xf32>
    %dot_general3A_26 = tpu.matmul %mul3A_22, %get3A_25, %dot_general3A {dimension_numbers = #tpu.dot_dimension_numbers<[1], [0], [0], [1], [0, 0, 1, 1], [], []>, precision = #tpu.contract_precision<fp32>, transpose_lhs_hint = false} : vector<1280x128xf32>, vector<128x128xf32>, vector<1280x128xf32> -> vector<1280x128xf32>
    %swap3A = arith.constant 0 : index
    %swap3A_27 = arith.constant 0 : index
    %swap3A_28 = vector.load %arg4[%swap3A, %swap3A_27] : memref<1280x128xf32, #tpu.memory_space<vmem>>, vector<1280x128xf32>
    tpu.vector_store %arg4[%swap3A, %swap3A_27], %dot_general3A_26 {strides = array<i32>} : memref<1280x128xf32, #tpu.memory_space<vmem>>, vector<1280x128xf32>,
    return
  }
  func.func @transform_0(%arg0: i32) -> (i32, i32, i32) {
    %c0_i32 = arith.constant 0 : i32
    %c0_i32_0 = arith.constant 0 : i32
    %c0_i32_1 = arith.constant 0 : i32
    return %c0_i32, %arg0, %c0_i32_0 : i32, i32, i32
  }
  func.func @transform_1(%arg0: i32) -> (i32, i32, i32) {
    %c0_i32 = arith.constant 0 : i32
    %c0_i32_0 = arith.constant 0 : i32
    %c0_i32_1 = arith.constant 0 : i32
    return %c0_i32, %arg0, %c0_i32_0 : i32, i32, i32
  }
  func.func @transform_2(%arg0: i32) -> (i32, i32) {
    %c0_i32 = arith.constant 0 : i32
    %c0_i32_0 = arith.constant 0 : i32
    %c0_i32_1 = arith.constant 0 : i32
    return %c0_i32, %c0_i32_0 : i32, i32
  }
  func.func @transform_3(%arg0: i32) -> (i32, i32) {
    %c0_i32 = arith.constant 0 : i32
    %c0_i32_0 = arith.constant 0 : i32
    return %arg0, %c0_i32 : i32, i32
  }
}

</mosaic_0001>

<sc_bundles>
// kernel: kernel.12.cloned.1.call-start
scs
__scs_entry_jumppad:
0x0: {  	(pc) =	sbr.rel $0x88, $3  }
0x1: {  	(tag) =	ssettag $0x0;
	lr =	simm.s32 $0x1  }
0x2: {  	[smem:$0x3F9C] =	sst lr;
	_ =	strace $0xD0000000  }
0x3: {  	_ = 	snop  }
0x4: {  	_ = 	snop  }
0x5: {  	_ = 	snop  }
0x6: {  	_ = 	snop  }
0x7: {  	_ = 	snop  }
__scs_overlays_trampoline_lowered:
0x8: {  	[smem:$0x3FAB] =	sst s0  }
0x9: {  	[smem:$0x3FAC] =	sst s1  }
0xa: {  	[smem:$0x3FAD] =	sst s2  }
0xb: {  	[smem:$0x3FAE] =	sst s3  }
0xc: {  	[smem:$0x3FAF] =	sst s4  }
0xd: {  	[smem:$0x3FB0] =	sst s5  }
0xe: {  	[smem:$0x3FB1] =	sst s6  }
0xf: {  	[smem:$0x3FB2] =	sst s7  }
0x10: {  	[smem:$0x3FB3] =	sst s8  }
0x11: {  	[smem:$0x3FB4] =	sst s9;
	s0 =	simm.s32 @!p0 $0x0  }
0x12: {  	s1 =	sld [smem:$0x3F9A];
	s0 =	simm.s32 @p0 $0x1  }
0x13: {  	[smem:$0x3FB5] =	sst s0;
	s0 =	simm.s32 @!p1 $0x0  }
0x14: {  	s2 =	sld [smem:$0x3F99];
	s0 =	simm.s32 @p1 $0x1  }
0x15: {  	[smem:$0x3FB6] =	sst s0;
	s0 =	simm.s32 @!p2 $0x0  }
0x16: {  	s3 =	sld [smem:$0x3FDB];
	s0 =	simm.s32 @p2 $0x1  }
0x17: {  	s4 =	simm.s32 $0x1BF5;
	[smem:$0x3FB8] =	sst s0  }
0x18: {  	s0 =	sld [smem:$0x3F9B];
	_ =	swait.ge [sflag:s4], $0x0  }
0x19: {  	s7 =	sld [smem:$0x3F9C]  }
0x1a: {  	s8 =	sadd.s32 $0xFFFFE003, lr  }
0x1b: {  	s9 =	sadd.s32 $0xFFFFFEF7, lr;
	s5 =	simm.s32 $0xFFFFFFFF;
	p2 =	slt.u32 s8, $0xFFFFF086  }
0x1c: {  	p1 =	slt.u32 s9, $0xF7A;
	s5 =	simm.s32 @!p2 $0x0  }
0x1d: {  	s5 =	simm.s32 @p1 $0x1;
	p0 =	seq.s32 s7, s2  }
0x1e: {  	s7 =	smul.u32 @!p0 $0xF7A, s2;
	p2 =	seq.s32 @!p0 s5, $0x0  }
0x1f: {  	s9 =	smul.u32 $0xF7A, s1;
	s8 =	simm.s32 @!p0 $0x1BF5;
	p2 =	por !p2, p0  }
0x20: {  	[sflag:s8] =	ssyncset.s32 @!p0 $0xFFFFF086;
	s6 =	sadd.s32 @!p0 s3, s7;
	s7 =	simm.s32 @!p0 $0x108  }
0x21: {  	s3 =	sadd.s32 s3, s9;
	s6 =	sadd.s32 @!p0 $0x88, s6;
	s7 =	simm.s32 @p2 $0x1082  }
0x22: {  	[simem:s7], [sflag:s8] =	dma.local @!p0 [hbm:s6], $0xF7A  }
0x23: {  	s9 =	sor.u32 $0xD0000000, s2;
	s6 =	simm.s32 $0x108;
	_ =	swait.ge @!p0 [sflag:s8], $0x0  }
0x24: {  	s3 =	sadd.s32 $0x88, s3;
	s6 =	simm.s32 @!p1 $0x1082;
	[sflag:s4] =	ssyncset.s32 $0xFFFFF086  }
0x25: {  	[simem:s6], [sflag:s4] =	dma.local [hbm:s3], $0xF7A  }
0x26: {  	[smem:$0x3F9C] =	sst s1;
	(tag) =	ssettag s2;
	_ =	strace s9  }
0x27: {  	s1 =	sld [smem:$0x3FAC]  }
0x28: {  	s2 =	sld [smem:$0x3FAD]  }
0x29: {  	s4 =	sld [smem:$0x3FAF]  }
0x2a: {  	p0 =	seq.s32 s5, $0x0;
	s5 =	sld [smem:$0x3FB0]  }
0x2b: {  	s6 =	sld [smem:$0x3FB1]  }
0x2c: {  	s7 =	sld [smem:$0x3FB2]  }
0x2d: {  	s3 =	simm.s32 $0x108;
	s8 =	sld [smem:$0x3FB3]  }
0x2e: {  	s3 =	simm.s32 @!p0 $0x1082;
	s9 =	sld [smem:$0x3FB4]  }
0x2f: {  	lr =	sadd.s32 s0, s3;
	s0 =	sld [smem:$0x3FAB]  }
0x30: {  	s3 =	sld [smem:$0x3FAE]  }
0x31: {  	[smem:$0x3FB7] =	sst s10  }
0x32: {  	s10 =	sld [smem:$0x3FB5];
	_ =	sdelay $0x3  }
0x33: {  	p0 =	seq.s32 s10, $0x1;
	s10 =	sld [smem:$0x3FB7];
	_ =	sdelay $0x3  }
0x34: {  	[smem:$0x3FB7] =	sst s10  }
0x35: {  	s10 =	sld [smem:$0x3FB6];
	_ =	sdelay $0x3  }
0x36: {  	p1 =	seq.s32 s10, $0x1;
	s10 =	sld [smem:$0x3FB7];
	_ =	sdelay $0x3  }
0x37: {  	[smem:$0x3FB7] =	sst s10  }
0x38: {  	s10 =	sld [smem:$0x3FB8]  }
0x39: {  	_ = 	snop;
	(pc) =	sbr.ind lr, $3  }
0x3a: {  	_ = 	snop  }
0x3b: {  	_ = 	snop  }
0x3c: {  	p2 =	seq.s32 s10, $0x1;
	s10 =	sld [smem:$0x3FB7]  }
0x3d: {  	_ =	shalt  }
0x3e: {  	_ =	shalt  }
0x3f: {  	_ =	shalt  }
0x40: {  	_ =	shalt  }
0x41: {  	_ =	shalt  }
0x42: {  	_ =	shalt  }
0x43: {  	_ =	shalt  }
0x44: {  	_ =	shalt  }
0x45: {  	_ =	shalt  }
0x46: {  	_ =	shalt  }
0x47: {  	_ =	shalt  }
0x48: {  	_ =	shalt  }
0x49: {  	_ =	shalt  }
0x4a: {  	_ =	shalt  }
0x4b: {  	_ =	shalt  }
0x4c: {  	_ =	shalt  }
0x4d: {  	_ =	shalt  }
0x4e: {  	_ =	shalt  }
0x4f: {  	_ =	shalt  }
0x50: {  	_ =	shalt  }
0x51: {  	_ =	shalt  }
0x52: {  	_ =	shalt  }
0x53: {  	_ =	shalt  }
0x54: {  	_ =	shalt  }
0x55: {  	_ =	shalt  }
0x56: {  	_ =	shalt  }
0x57: {  	_ =	shalt  }
0x58: {  	_ =	shalt  }
0x59: {  	_ =	shalt  }
0x5a: {  	_ =	shalt  }
0x5b: {  	_ =	shalt  }
0x5c: {  	_ =	shalt  }
0x5d: {  	_ =	shalt  }
0x5e: {  	_ =	shalt  }
0x5f: {  	_ =	shalt  }
0x60: {  	_ =	shalt  }
0x61: {  	_ =	shalt  }
0x62: {  	_ =	shalt  }
0x63: {  	_ =	shalt  }
0x64: {  	_ =	shalt  }
0x65: {  	_ =	shalt  }
0x66: {  	_ =	shalt  }
0x67: {  	_ =	shalt  }
0x68: {  	_ =	shalt  }
0x69: {  	_ =	shalt  }
0x6a: {  	_ =	shalt  }
0x6b: {  	_ =	shalt  }
0x6c: {  	_ =	shalt  }
0x6d: {  	_ =	shalt  }
0x6e: {  	_ =	shalt  }
0x6f: {  	_ =	shalt  }
0x70: {  	_ =	shalt  }
0x71: {  	_ =	shalt  }
0x72: {  	_ =	shalt  }
0x73: {  	_ =	shalt  }
0x74: {  	_ =	shalt  }
0x75: {  	_ =	shalt  }
0x76: {  	_ =	shalt  }
0x77: {  	_ =	shalt  }
0x78: {  	_ =	shalt  }
0x79: {  	_ =	shalt  }
0x7a: {  	_ =	shalt  }
0x7b: {  	_ =	shalt  }
0x7c: {  	_ =	shalt  }
0x7d: {  	_ =	shalt  }
0x7e: {  	_ =	shalt  }
0x7f: {  	_ =	shalt  }
0x80: {  	_ =	shalt  }
0x81: {  	_ =	shalt  }
0x82: {  	_ =	shalt  }
0x83: {  	_ =	shalt  }
0x84: {  	_ =	shalt  }
0x85: {  	_ =	shalt  }
0x86: {  	_ =	shalt  }
0x87: {  	_ =	shalt  }
.Lfunc_end0:
.L_simem_size_0:
called_computation.1_lowered:
.L_overlay_start_0:
0x88: {  	s2 =	sld [smem:$0x3FD9]  }
0x89: {  	s3 =	sld [smem:$0x3FFE];
	_ =	sdelay $0x1  }
0x8a: {  	s1 =	srdreg.scid  }
0x8b: {  	s0 =	sand.u32 $0x1, s1  }
0x8c: {  	s14 =	sshll.u32 s0, $0xA;
	s2 =	sadd.s32 s3, s2  }
0x8d: {  	s2 =	sadd.s32 s2, s14  }
0x8e: {  	[smem:$0x3FC3] =	sst s2  }
0x8f: {  	_ = 	snop  }
0x90: {  	s2 =	sld [smem:$0x3FD0];
	_ =	sdelay $0x2  }
0x91: {  	s15 =	simm.s32 $0xA;
	s4 =	simm.s32 $0x10  }
0x92: {  	[smem:s4], [sflag:s15] =	dma.local [hbm:s2], $0x1  }
0x93: {  	_ =	swait.eq [sflag:s15], $0x1  }
0x94: {  	[sflag:s15] =	ssyncset.done $0x0  }
0x95: {  	[sflag:s15] =	ssyncadd.s32 $0xFFFFFFFF  }
0x96: {  	s16 =	sld [smem:$0x11];
	(tm) =	ssettm $0x1  }
0x97: {  	s17 =	sld [smem:$0x3FFB];
	_ =	sdelay $0x3  }
0x98: {  	_ =	strace s17  }
0x99: {  	s3 =	sld [smem:$0x3FFC];
	_ =	sdelay $0x3  }
0x9a: {  	_ =	strace s3  }
0x9b: {  	s3 =	sld [smem:$0x3FFD];
	_ =	sdelay $0x3  }
0x9c: {  	_ =	strace s3  }
0x9d: {  	_ =	strace $0x8FFFFFFF  }
0x9e: {  	s18 =	sld [smem:$0x3FDB];
	_ =	sdelay $0x1  }
0x9f: {  	s19 =	simm.s32 $_scs_section_size  }
0xa0: {  	s5 =	simm.s32 $_size__tile_overlayer_lowered;
	s6 =	simm.s32 $_tile_overlayer_lowered  }
0xa1: {  	s22 =	simm.s32 $0x1BFF;
	s21 =	sshll.u32 s6, $0x1;
	s3 =	sadd.s32 s19, s18  }
0xa2: {  	s7 =	simm.s32 $0x0;
	s20 =	sshll.u32 s5, $0x1;
	s5 =	sadd.s32 s21, s3  }
0xa3: {  	[timem:s7], [sflag:s22] =	dma.local [hbm:s5], s20  }
0xa4: {  	_ =	swait.ge [sflag:s22], s20  }
0xa5: {  	s4 =	ssub.s32 $0x0, s20;
	[sflag:s22] =	ssyncset.done $0x0  }
0xa6: {  	[sflag:s22] =	ssyncadd.s32 s4;
	_ =	sdelay $0x1  }
0xa7: {  	s23 =	simm.s32 $0x1B8B  }
0xa8: {  	_ =	swait.ge [sflag:s23], $0x1  }
0xa9: {  	[sflag:s23] =	ssyncset.done $0x0  }
0xaa: {  	s25 =	simm.s32 $0x1B8E;
	s24 =	sld [smem:$0x3FFE];
	[sflag:s23] =	ssyncadd.s32 $0xFFFFFFFF  }
0xab: {  	s26 =	simm.s32 $execute0_lowered;
	[smem:$0x3FD2] =	sst s25  }
0xac: {  	s5 =	sshll.u32 s26, $0x1;
	_ =	strace $0x80000049;
	[dreg:$0x1] =	wrdreg $0xFFFFFFFF  }
0xad: {  	s28 =	simm.s32 $_size_execute0_lowered;
	s3 =	sadd.s32 s3, s5;
	[dreg:$0x0] =	wrdreg $0x0  }
0xae: {  	s5 =	sshll.u32 s28, $0x1;
	[dreg:$0x2] =	wrdreg s3  }
0xaf: {  	[dreg:$0x3] =	wrdreg s5  }
0xb0: {  	[dreg:$0x4] =	wrdreg $0xC0  }
0xb1: {  	_ =	task [dreg:s7], $0x5FFFF  }
0xb2: {  	[dreg:$0x1] =	wrdreg $0xFFFFFFFF  }
0xb3: {  	[dreg:$0x0] =	wrdreg $0x60  }
0xb4: {  	[dreg:$0x2] =	wrdreg s24  }
0xb5: {  	[dreg:$0x3] =	wrdreg s16  }
0xb6: {  	[dreg:$0x4] =	wrdreg $0xB0000  }
0xb7: {  	[dreg:$0x5] =	wrdreg $0x9  }
0xb8: {  	_ =	task.clear_ibuf [dreg:s7], $0x6FFFF;
	_ =	strace $0x90000049  }
0xb9: {  	s29 =	simm.s32 $0x9;
	_ =	strace $0x8000004B  }
0xba: {  	_ =	swait.ge [sflag:s29], $0x1  }
0xbb: {  	[sflag:s29] =	ssyncadd.s32 $0xFFFFFFFF  }
0xbc: {  	_ =	strace $0x9000004B  }
0xbd: {  	_ =	sfence  }
0xbe: {  	s30 =	sld [smem:$0x0];
	_ =	sdelay $0x2  }
0xbf: {  	s31 =	sshll.u32 s1, $0xD;
	s1 =	sshrl.u32 s1, $0x2  }
0xc0: {  	s3 =	sand.u32 $0x4000, s31;
	s1 =	sadd.s32 s1, s30  }
0xc1: {  	s0 =	sor.u32 s3, s0;
	s1 =	sshll.u32 s1, $0x11  }
0xc2: {  	s0 =	sor.u32 s1, s0  }
0xc3: {  	s0 =	sadd.s32 $0x8F2B, s0  }
0xc4: {  	[sflag:s0] =	ssyncadd.remote.s32 $0x1  }
0xc5: {  	_ =	sfence.sel $0xFFFF  }
0xc6: {  	[dreg:$0x0] =	wrdreg $0xFFFFFFFF;
	(pc) =	sbr.abs _section_cstart, $3  }
0xc7: {  	[dreg:$0x1] =	wrdreg $0xFFFFFFFF  }
0xc8: {  	_ =	task.clear_ibuf [dreg:s7], $0x2FFFF;
	_ =	strace $0x9FFFFFFF  }
0xc9: {  	(tm) =	ssettm $0x7FFFFFFF  }
tec
execute0_lowered:
.L_overlay_start_1:
0x0: {  	(tag) =	ssettag $0x1  }
0x1: {  	s5 =	rddreg [dreg:$0x0]  }
0x2: {  	s12 =	rddreg [dreg:$0x1];
	s0 =	stileid.u32  }
0x3: {  	s1 =	srdreg.scid;
	s6 =	smul.u32 $0x70, s0  }
0x4: {  	s2 =	rddreg [dreg:$0x2];
	s4 =	smul.u32 $0x30, s0  }
0x5: {  	s3 =	simm.s32 $0x0;
	s16 =	simm.s32 $0x2;
	s9 =	smul.u32 $0x14000, s0  }
0x6: {  	s7 =	sand.u32 $0x1, s1;
	s1 =	rddreg [dreg:$0x3];
	s30 =	smul.u32 $0x50000, s0  }
0x7: {  	[smem:$0x7FF] =	sst s3;
	s17 =	sshll.u32 s0, $0x6;
	s8 =	smul.u32 $0x140000, s7  }
0x8: {  	_ =	strace $0x8000004A;
	p0 =	seq.s32 s7, $0x0;
	s31 =	ssub.s32 $0x2, s7  }
0x9: {  	s17 =	sor.u32 $0x1C02, s17;
	s10 =	sadd.s32 $0x700, s4;
	s4 =	sadd.s32 $0x2000, s5  }
0xa: {  	s7 =	sshrl.u32 s31, $0x1;
	s10 =	smov.u32 @p0 s6;
	s29 =	sadd.s32 s9, s8  }
0xb: {  	s8 =	sshrl.u32 s30, $0x2;
	s13 =	sshll.u32 s10, $0x4;
	s6 =	sshrl.u32 s29, $0x3  }
0xc: {  	s15 =	ssub.s32 s31, s7;
	s11 =	sadd.s32 s13, s5;
	s14 =	sadd.s32 s6, s5  }
0xd: {  	s5 =	simm.s32 $0x70;
	s6 =	sadd.s32 s8, s2;
	s12 =	sadd.s32 s12, s13  }
0xe: {  	s5 =	simm.s32 @!p0 $0x30;
	s7 =	sadd.s32 $0x4000, s6;
	s8 =	sadd.s32 $0x8000, s6  }
0xf: {  	s9 =	sadd.s32 $0xC000, s6;
	s10 =	sadd.s32 $0x10000, s6;
	s11 =	sadd.s32 $0x5C000, s11  }
0x10: {  	v0 =	vimm.f32 $0.0e+00;
	s13 =	sadd.s32 $0x66400, s14;
	s14 =	smax.u32 s15, $0x1;
	s15 =	simm.s32 $0x7000  }
.LBB2_1:
0x11: {  	s18 =	simm.s32 $0x0;
	s19 =	simm.s32 $0x200  }
.LBB2_2:
0x12: {  	p0 =	sne.s32 s19, $0xFE00;
	[tilespmem:s18+$0x7070] =	vst v0  }
0x13: {  	[tilespmem:s18+$0x7000] =	vst v0  }
0x14: {  	[tilespmem:s18+$0x7010] =	vst v0  }
.Ltmp0:
0x15: {  	[tilespmem:s18+$0x7020] =	vst v0;
	(pc) =	sbr.rel @p0 .LBB2_2-.Ltmp0, $4  }
0x16: {  	[tilespmem:s18+$0x7030] =	vst v0  }
0x17: {  	[tilespmem:s18+$0x7040] =	vst v0  }
0x18: {  	[tilespmem:s18+$0x7050] =	vst v0  }
0x19: {  	[tilespmem:s18+$0x7060] =	vst v0;
	s18 =	sshra.s32 s19, $0x2;
	s19 =	sadd.s32 $0x200, s19  }
0x1a: {  	[tilespmem:s18+$0x7070] =	vst v0  }
0x1b: {  	[tilespmem:s18+$0x7000] =	vst v0  }
0x1c: {  	[tilespmem:s18+$0x7010] =	vst v0  }
0x1d: {  	[tilespmem:s18+$0x7020] =	vst v0  }
0x1e: {  	[tilespmem:s18+$0x7030] =	vst v0  }
0x1f: {  	[tilespmem:s18+$0x7040] =	vst v0  }
0x20: {  	[tilespmem:s18+$0x7050] =	vst v0  }
0x21: {  	[tilespmem:s18+$0x7060] =	vst v0  }
0x22: {  	[spmem:s6] =	stream.linear.scatter [tilespmem:s15], [sflag:$0x2], $0x4000, $0x38;
	[tilespmem:$0x1F000] =	vst v63  }
0x23: {  	_ =	swait.ge [sflag:s16], $0x4000  }
0x24: {  	[sflag:s16] =	ssyncset.done $0x0  }
0x25: {  	[sflag:s16] =	ssyncadd.s32 $0xFFFFC000  }
0x26: {  	[spmem:s7] =	stream.linear.scatter [tilespmem:s15], [sflag:$0x2], $0x4000, $0x38;
	[tilespmem:$0x1F000] =	vst v63  }
0x27: {  	_ =	swait.ge [sflag:s16], $0x4000  }
0x28: {  	[sflag:s16] =	ssyncset.done $0x0  }
0x29: {  	[sflag:s16] =	ssyncadd.s32 $0xFFFFC000  }
0x2a: {  	[spmem:s8] =	stream.linear.scatter [tilespmem:s15], [sflag:$0x2], $0x4000, $0x38;
	[tilespmem:$0x1F000] =	vst v63  }
0x2b: {  	_ =	swait.ge [sflag:s16], $0x4000  }
0x2c: {  	[sflag:s16] =	ssyncset.done $0x0  }
0x2d: {  	[sflag:s16] =	ssyncadd.s32 $0xFFFFC000  }
0x2e: {  	[spmem:s9] =	stream.linear.scatter [tilespmem:s15], [sflag:$0x2], $0x4000, $0x38;
	[tilespmem:$0x1F000] =	vst v63  }
0x2f: {  	_ =	swait.ge [sflag:s16], $0x4000  }
0x30: {  	[sflag:s16] =	ssyncset.done $0x0  }
0x31: {  	[sflag:s16] =	ssyncadd.s32 $0xFFFFC000  }
0x32: {  	[spmem:s10] =	stream.linear.scatter [tilespmem:s15], [sflag:$0x2], $0x4000, $0x38;
	[tilespmem:$0x1F000] =	vst v63  }
0x33: {  	_ =	swait.ge [sflag:s16], $0x4000  }
0x34: {  	[sflag:s16] =	ssyncset.done $0x0  }
0x35: {  	[sflag:s16] =	ssyncadd.s32 $0xFFFFC000  }
0x36: {  	s18 =	simm.s32 $0x0;
	[bflag:$0x0] =	sbarrier.arrive $0xFFFF  }
0x37: {  	[tilespmem:s18], [sflag:$0x2] =	stream.linear.gather [hbm4b:s11+s18], $0x3800, $0x38;
	[tilespmem:$0x1F000] =	vst v63  }
0x38: {  	_ =	swait.ge [sflag:s16], $0x3800  }
0x39: {  	[sflag:s16] =	ssyncset.done $0x0  }
0x3a: {  	s19 =	simm.s32 $0x3800;
	[sflag:s16] =	ssyncadd.s32 $0xFFFFC800  }
0x3b: {  	[tilespmem:s19], [sflag:$0x2] =	stream.linear.gather [hbm4b:s12+s18], $0x3800, $0x38;
	[tilespmem:$0x1F000] =	vst v63  }
0x3c: {  	p0 =	sle.u32 s5, $0x0;
	_ =	swait.ge [sflag:s16], $0x3800  }
0x3d: {  	s20 =	simm.s32 @!p0 $0x80;
	[sflag:s16] =	ssyncset.done $0x0  }
0x3e: {  	s21 =	simm.s32 @!p0 $0x7000;
	s22 =	simm.s32 @!p0 $0x1;
	[sflag:s16] =	ssyncadd.s32 $0xFFFFC800  }
0x3f: {  	[tilespmem:s21], [sflag:$0x1] =	stream.indirect.gather @!p0 [hbm4b:s4+s20], $0x80, s18, s20, $0xb8;
	[tilespmem:$0x1F000] =	vst v63  }
0x40: {  	_ =	swait.ge @!p0 [sflag:s22], $0x4000  }
0x41: {  	[sflag:s22] =	ssyncset.done @!p0 $0x0;
	p0 =	por p0, p0  }
0x42: {  	[sflag:s22] =	ssyncadd.s32 @!p0 $0xFFFFC000  }
0x43: {  	[spmem:s2] =	stream.indirect.scatter.add.f32 @!p0 [tilespmem:s21], [sflag:$0x2], $0x80, s19, s20, $0xb8;
	[tilespmem:$0x1F000] =	vst v63  }
0x44: {  	p1 =	sle.u32 s5, $0x1;
	s18 =	simm.s32 $0x3880;
	s21 =	simm.s32 @!p0 $0x2  }
0x45: {  	s20 =	simm.s32 $0x2;
	s19 =	simm.s32 $0x80;
	_ =	swait.ge @!p0 [sflag:s21], $0x4000  }
.LBB2_4:
0x46: {  	s22 =	simm.s32 @!p1 $0x80;
	s23 =	simm.s32 @!p1 $0x7000;
	[sflag:s21] =	ssyncset.done @!p0 $0x0  }
0x47: {  	s24 =	smov.u32 s20;
	s25 =	smov.u32 s18;
	s20 =	sadd.s32 $0x1, s20  }
0x48: {  	s26 =	simm.s32 @!p1 $0x1;
	[sflag:s21] =	ssyncadd.s32 @!p0 $0xFFFFC000;
	p2 =	sne.s32 s20, $0x70  }
0x49: {  	[tilespmem:s23], [sflag:$0x1] =	stream.indirect.gather @!p1 [hbm4b:s4+s22], $0x80, s19, s22, $0xb8;
	[tilespmem:$0x1F000] =	vst v63  }
.Ltmp1:
0x4a: {  	_ =	swait.ge @!p1 [sflag:s26], $0x4000;
	(pc) =	sbr.rel @p2 .LBB2_4-.Ltmp1, $4  }
0x4b: {  	p0 =	por p1, p1;
	[sflag:s26] =	ssyncset.done @!p1 $0x0  }
0x4c: {  	s18 =	sadd.s32 $0x80, s18;
	s21 =	simm.s32 @!p0 $0x2;
	[sflag:s26] =	ssyncadd.s32 @!p0 $0xFFFFC000  }
0x4d: {  	[spmem:s2] =	stream.indirect.scatter.add.f32 @!p0 [tilespmem:s23], [sflag:$0x2], $0x80, s25, s22, $0xb8;
	[tilespmem:$0x1F000] =	vst v63  }
0x4e: {  	s19 =	sadd.s32 $0x80, s19;
	p1 =	sge.u32 s24, s5;
	_ =	swait.ge @!p0 [sflag:s21], $0x4000  }
0x4f: {  	s20 =	simm.s32 @!p1 $0x80;
	[sflag:s21] =	ssyncset.done @!p0 $0x0  }
0x50: {  	s22 =	simm.s32 @!p1 $0x7000;
	s23 =	simm.s32 @!p1 $0x1;
	[sflag:s21] =	ssyncadd.s32 @!p0 $0xFFFFC000  }
0x51: {  	[tilespmem:s22], [sflag:$0x1] =	stream.indirect.gather @!p1 [hbm4b:s4+s20], $0x80, s19, s20, $0xb8;
	[tilespmem:$0x1F000] =	vst v63  }
0x52: {  	_ =	swait.ge @!p1 [sflag:s23], $0x4000  }
0x53: {  	p0 =	por p1, p1;
	[sflag:s23] =	ssyncset.done @!p1 $0x0  }
0x54: {  	s19 =	simm.s32 @!p0 $0x2;
	[sflag:s23] =	ssyncadd.s32 @!p0 $0xFFFFC000  }
0x55: {  	[spmem:s2] =	stream.indirect.scatter.add.f32 @!p0 [tilespmem:s22], [sflag:$0x2], $0x80, s18, s20, $0xb8;
	[tilespmem:$0x1F000] =	vst v63  }
0x56: {  	_ =	swait.ge @!p0 [sflag:s19], $0x4000  }
0x57: {  	s3 =	sadd.s32 $0x1, s3;
	[sflag:s19] =	ssyncset.done @!p0 $0x0  }
0x58: {  	[sflag:s19] =	ssyncadd.s32 @!p0 $0xFFFFC000;
	p0 =	sne.s32 s3, s14  }
.Ltmp2:
0x59: {  	s31 =	sshrl.u32 s6, $0x3;
	[bflag:$0x0] =	sbarrier.arrive $0xFFFF;
	(pc) =	sbr.rel @p0 .LBB2_1-.Ltmp2, $4  }
0x5a: {  	[hbm:s13], [sflag:s17] =	dma.local [spmem:s31], $0x2800  }
0x5b: {  	_ =	swait.ge [sflag:s16], $0x2800  }
0x5c: {  	[sflag:s16] =	ssyncset.done $0x0  }
0x5d: {  	[sflag:s16] =	ssyncadd.s32 $0xFFFFD800  }
0x5e: {  	_ =	sfence.sel $0x180000  }
0x5f: {  	[bflag:$0x0] =	sbarrier.arrive $0xFFFF  }
0x60: {  	p0 =	sne.s32 s0, $0x0;
	_ =	strace $0x9000004A  }
0x61: {  	s0 =	sadd.s32 @!p0 $0x100000, s1;
	[bflag:$0x2] =	sbarrier.arrive $0xFFFF  }
0x62: {  	[sflag:s0] =	ssyncadd.tile.s32 @!p0 $0x1;
	_ =	shalt  }
.Lfunc_end2:
_tile_overlayer_lowered:
.L_overlay_start_2:
0x63: {  	(tag) =	ssettag $0x2  }
0x64: {  	s0 =	rddreg [dreg:$0x0];
	s2 =	stileid.u32  }
0x65: {  	s1 =	rddreg [dreg:$0x1];
	p0 =	sne.s32 s2, $0x0  }
0x66: {  	s3 =	rddreg [dreg:$0x2];
	[bflag:$0x3] =	sbarrier.arrive $0xFFFF;
	s2 =	simm.s32 @!p0 $0x1C02  }
0x67: {  	[timem:s3], [sflag:s2] =	dma.local @!p0 [hbm:s0], s1  }
0x68: {  	s0 =	simm.s32 @!p0 $0x2  }
0x69: {  	_ =	swait.ge @!p0 [sflag:s0], s1  }
0x6a: {  	s1 =	ssub.s32 @!p0 $0x0, s1;
	[sflag:s0] =	ssyncset.done @!p0 $0x0  }
0x6b: {  	[sflag:s0] =	ssyncadd.s32 @!p0 s1  }
0x6c: {  	[bflag:$0x3] =	sbarrier.arrive $0xFFFF  }
0x6d: {  	_ =	shalt  }

// kernel: kernel.15.cloned.1.call-start
scs
__scs_entry_jumppad:
0x0: {  	(pc) =	sbr.rel $0x88, $3  }
0x1: {  	(tag) =	ssettag $0x0;
	lr =	simm.s32 $0x1  }
0x2: {  	[smem:$0x3F9C] =	sst lr;
	_ =	strace $0xD0000000  }
0x3: {  	_ = 	snop  }
0x4: {  	_ = 	snop  }
0x5: {  	_ = 	snop  }
0x6: {  	_ = 	snop  }
0x7: {  	_ = 	snop  }
__scs_overlays_trampoline_lowered:
0x8: {  	[smem:$0x3FAB] =	sst s0  }
0x9: {  	[smem:$0x3FAC] =	sst s1  }
0xa: {  	[smem:$0x3FAD] =	sst s2  }
0xb: {  	[smem:$0x3FAE] =	sst s3  }
0xc: {  	[smem:$0x3FAF] =	sst s4  }
0xd: {  	[smem:$0x3FB0] =	sst s5  }
0xe: {  	[smem:$0x3FB1] =	sst s6  }
0xf: {  	[smem:$0x3FB2] =	sst s7  }
0x10: {  	[smem:$0x3FB3] =	sst s8  }
0x11: {  	[smem:$0x3FB4] =	sst s9;
	s0 =	simm.s32 @!p0 $0x0  }
0x12: {  	s1 =	sld [smem:$0x3F9A];
	s0 =	simm.s32 @p0 $0x1  }
0x13: {  	[smem:$0x3FB5] =	sst s0;
	s0 =	simm.s32 @!p1 $0x0  }
0x14: {  	s2 =	sld [smem:$0x3F99];
	s0 =	simm.s32 @p1 $0x1  }
0x15: {  	[smem:$0x3FB6] =	sst s0;
	s0 =	simm.s32 @!p2 $0x0  }
0x16: {  	s3 =	sld [smem:$0x3FDB];
	s0 =	simm.s32 @p2 $0x1  }
0x17: {  	s4 =	simm.s32 $0x1BF5;
	[smem:$0x3FB8] =	sst s0  }
0x18: {  	s0 =	sld [smem:$0x3F9B];
	_ =	swait.ge [sflag:s4], $0x0  }
0x19: {  	s7 =	sld [smem:$0x3F9C]  }
0x1a: {  	s8 =	sadd.s32 $0xFFFFE003, lr  }
0x1b: {  	s9 =	sadd.s32 $0xFFFFFEF7, lr;
	s5 =	simm.s32 $0xFFFFFFFF;
	p2 =	slt.u32 s8, $0xFFFFF086  }
0x1c: {  	p1 =	slt.u32 s9, $0xF7A;
	s5 =	simm.s32 @!p2 $0x0  }
0x1d: {  	s5 =	simm.s32 @p1 $0x1;
	p0 =	seq.s32 s7, s2  }
0x1e: {  	s7 =	smul.u32 @!p0 $0xF7A, s2;
	p2 =	seq.s32 @!p0 s5, $0x0  }
0x1f: {  	s9 =	smul.u32 $0xF7A, s1;
	s8 =	simm.s32 @!p0 $0x1BF5;
	p2 =	por !p2, p0  }
0x20: {  	[sflag:s8] =	ssyncset.s32 @!p0 $0xFFFFF086;
	s6 =	sadd.s32 @!p0 s3, s7;
	s7 =	simm.s32 @!p0 $0x108  }
0x21: {  	s3 =	sadd.s32 s3, s9;
	s6 =	sadd.s32 @!p0 $0x88, s6;
	s7 =	simm.s32 @p2 $0x1082  }
0x22: {  	[simem:s7], [sflag:s8] =	dma.local @!p0 [hbm:s6], $0xF7A  }
0x23: {  	s9 =	sor.u32 $0xD0000000, s2;
	s6 =	simm.s32 $0x108;
	_ =	swait.ge @!p0 [sflag:s8], $0x0  }
0x24: {  	s3 =	sadd.s32 $0x88, s3;
	s6 =	simm.s32 @!p1 $0x1082;
	[sflag:s4] =	ssyncset.s32 $0xFFFFF086  }
0x25: {  	[simem:s6], [sflag:s4] =	dma.local [hbm:s3], $0xF7A  }
0x26: {  	[smem:$0x3F9C] =	sst s1;
	(tag) =	ssettag s2;
	_ =	strace s9  }
0x27: {  	s1 =	sld [smem:$0x3FAC]  }
0x28: {  	s2 =	sld [smem:$0x3FAD]  }
0x29: {  	s4 =	sld [smem:$0x3FAF]  }
0x2a: {  	p0 =	seq.s32 s5, $0x0;
	s5 =	sld [smem:$0x3FB0]  }
0x2b: {  	s6 =	sld [smem:$0x3FB1]  }
0x2c: {  	s7 =	sld [smem:$0x3FB2]  }
0x2d: {  	s3 =	simm.s32 $0x108;
	s8 =	sld [smem:$0x3FB3]  }
0x2e: {  	s3 =	simm.s32 @!p0 $0x1082;
	s9 =	sld [smem:$0x3FB4]  }
0x2f: {  	lr =	sadd.s32 s0, s3;
	s0 =	sld [smem:$0x3FAB]  }
0x30: {  	s3 =	sld [smem:$0x3FAE]  }
0x31: {  	[smem:$0x3FB7] =	sst s10  }
0x32: {  	s10 =	sld [smem:$0x3FB5];
	_ =	sdelay $0x3  }
0x33: {  	p0 =	seq.s32 s10, $0x1;
	s10 =	sld [smem:$0x3FB7];
	_ =	sdelay $0x3  }
0x34: {  	[smem:$0x3FB7] =	sst s10  }
0x35: {  	s10 =	sld [smem:$0x3FB6];
	_ =	sdelay $0x3  }
0x36: {  	p1 =	seq.s32 s10, $0x1;
	s10 =	sld [smem:$0x3FB7];
	_ =	sdelay $0x3  }
0x37: {  	[smem:$0x3FB7] =	sst s10  }
0x38: {  	s10 =	sld [smem:$0x3FB8]  }
0x39: {  	_ = 	snop;
	(pc) =	sbr.ind lr, $3  }
0x3a: {  	_ = 	snop  }
0x3b: {  	_ = 	snop  }
0x3c: {  	p2 =	seq.s32 s10, $0x1;
	s10 =	sld [smem:$0x3FB7]  }
0x3d: {  	_ =	shalt  }
0x3e: {  	_ =	shalt  }
0x3f: {  	_ =	shalt  }
0x40: {  	_ =	shalt  }
0x41: {  	_ =	shalt  }
0x42: {  	_ =	shalt  }
0x43: {  	_ =	shalt  }
0x44: {  	_ =	shalt  }
0x45: {  	_ =	shalt  }
0x46: {  	_ =	shalt  }
0x47: {  	_ =	shalt  }
0x48: {  	_ =	shalt  }
0x49: {  	_ =	shalt  }
0x4a: {  	_ =	shalt  }
0x4b: {  	_ =	shalt  }
0x4c: {  	_ =	shalt  }
0x4d: {  	_ =	shalt  }
0x4e: {  	_ =	shalt  }
0x4f: {  	_ =	shalt  }
0x50: {  	_ =	shalt  }
0x51: {  	_ =	shalt  }
0x52: {  	_ =	shalt  }
0x53: {  	_ =	shalt  }
0x54: {  	_ =	shalt  }
0x55: {  	_ =	shalt  }
0x56: {  	_ =	shalt  }
0x57: {  	_ =	shalt  }
0x58: {  	_ =	shalt  }
0x59: {  	_ =	shalt  }
0x5a: {  	_ =	shalt  }
0x5b: {  	_ =	shalt  }
0x5c: {  	_ =	shalt  }
0x5d: {  	_ =	shalt  }
0x5e: {  	_ =	shalt  }
0x5f: {  	_ =	shalt  }
0x60: {  	_ =	shalt  }
0x61: {  	_ =	shalt  }
0x62: {  	_ =	shalt  }
0x63: {  	_ =	shalt  }
0x64: {  	_ =	shalt  }
0x65: {  	_ =	shalt  }
0x66: {  	_ =	shalt  }
0x67: {  	_ =	shalt  }
0x68: {  	_ =	shalt  }
0x69: {  	_ =	shalt  }
0x6a: {  	_ =	shalt  }
0x6b: {  	_ =	shalt  }
0x6c: {  	_ =	shalt  }
0x6d: {  	_ =	shalt  }
0x6e: {  	_ =	shalt  }
0x6f: {  	_ =	shalt  }
0x70: {  	_ =	shalt  }
0x71: {  	_ =	shalt  }
0x72: {  	_ =	shalt  }
0x73: {  	_ =	shalt  }
0x74: {  	_ =	shalt  }
0x75: {  	_ =	shalt  }
0x76: {  	_ =	shalt  }
0x77: {  	_ =	shalt  }
0x78: {  	_ =	shalt  }
0x79: {  	_ =	shalt  }
0x7a: {  	_ =	shalt  }
0x7b: {  	_ =	shalt  }
0x7c: {  	_ =	shalt  }
0x7d: {  	_ =	shalt  }
0x7e: {  	_ =	shalt  }
0x7f: {  	_ =	shalt  }
0x80: {  	_ =	shalt  }
0x81: {  	_ =	shalt  }
0x82: {  	_ =	shalt  }
0x83: {  	_ =	shalt  }
0x84: {  	_ =	shalt  }
0x85: {  	_ =	shalt  }
0x86: {  	_ =	shalt  }
0x87: {  	_ =	shalt  }
.Lfunc_end0:
.L_simem_size_0:
called_computation.2_lowered:
.L_overlay_start_0:
0x88: {  	s2 =	sld [smem:$0x3FD9]  }
0x89: {  	s3 =	sld [smem:$0x3FFE];
	_ =	sdelay $0x1  }
0x8a: {  	s1 =	srdreg.scid  }
0x8b: {  	s0 =	sand.u32 $0x1, s1  }
0x8c: {  	s14 =	sshll.u32 s0, $0xA;
	s2 =	sadd.s32 s3, s2  }
0x8d: {  	s2 =	sadd.s32 s2, s14  }
0x8e: {  	[smem:$0x3FC3] =	sst s2  }
0x8f: {  	_ = 	snop  }
0x90: {  	s2 =	sld [smem:$0x3FD0];
	_ =	sdelay $0x2  }
0x91: {  	s15 =	simm.s32 $0xA;
	s4 =	simm.s32 $0x10  }
0x92: {  	[smem:s4], [sflag:s15] =	dma.local [hbm:s2], $0x1  }
0x93: {  	_ =	swait.eq [sflag:s15], $0x1  }
0x94: {  	[sflag:s15] =	ssyncset.done $0x0  }
0x95: {  	[sflag:s15] =	ssyncadd.s32 $0xFFFFFFFF  }
0x96: {  	s16 =	sld [smem:$0x11];
	(tm) =	ssettm $0x1  }
0x97: {  	s17 =	sld [smem:$0x3FFB];
	_ =	sdelay $0x3  }
0x98: {  	_ =	strace s17  }
0x99: {  	s3 =	sld [smem:$0x3FFC];
	_ =	sdelay $0x3  }
0x9a: {  	_ =	strace s3  }
0x9b: {  	s3 =	sld [smem:$0x3FFD];
	_ =	sdelay $0x3  }
0x9c: {  	_ =	strace s3  }
0x9d: {  	_ =	strace $0x8FFFFFFF  }
0x9e: {  	s18 =	sld [smem:$0x3FDB];
	_ =	sdelay $0x1  }
0x9f: {  	s19 =	simm.s32 $_scs_section_size  }
0xa0: {  	s5 =	simm.s32 $_size__tile_overlayer_lowered;
	s6 =	simm.s32 $_tile_overlayer_lowered  }
0xa1: {  	s22 =	simm.s32 $0x1BFF;
	s21 =	sshll.u32 s6, $0x1;
	s3 =	sadd.s32 s19, s18  }
0xa2: {  	s7 =	simm.s32 $0x0;
	s20 =	sshll.u32 s5, $0x1;
	s5 =	sadd.s32 s21, s3  }
0xa3: {  	[timem:s7], [sflag:s22] =	dma.local [hbm:s5], s20  }
0xa4: {  	_ =	swait.ge [sflag:s22], s20  }
0xa5: {  	s4 =	ssub.s32 $0x0, s20;
	[sflag:s22] =	ssyncset.done $0x0  }
0xa6: {  	[sflag:s22] =	ssyncadd.s32 s4;
	_ =	sdelay $0x1  }
0xa7: {  	s23 =	simm.s32 $0x1B8B  }
0xa8: {  	_ =	swait.ge [sflag:s23], $0x1  }
0xa9: {  	[sflag:s23] =	ssyncset.done $0x0  }
0xaa: {  	s25 =	simm.s32 $0x1B8E;
	s24 =	sld [smem:$0x3FFE];
	[sflag:s23] =	ssyncadd.s32 $0xFFFFFFFF  }
0xab: {  	s26 =	simm.s32 $execute0_lowered;
	[smem:$0x3FD2] =	sst s25  }
0xac: {  	s5 =	sshll.u32 s26, $0x1;
	_ =	strace $0x8000004C;
	[dreg:$0x1] =	wrdreg $0xFFFFFFFF  }
0xad: {  	s28 =	simm.s32 $_size_execute0_lowered;
	s3 =	sadd.s32 s3, s5;
	[dreg:$0x0] =	wrdreg $0x0  }
0xae: {  	s5 =	sshll.u32 s28, $0x1;
	[dreg:$0x2] =	wrdreg s3  }
0xaf: {  	[dreg:$0x3] =	wrdreg s5  }
0xb0: {  	[dreg:$0x4] =	wrdreg $0xC0  }
0xb1: {  	_ =	task [dreg:s7], $0x5FFFF  }
0xb2: {  	[dreg:$0x1] =	wrdreg $0xFFFFFFFF  }
0xb3: {  	[dreg:$0x0] =	wrdreg $0x60  }
0xb4: {  	[dreg:$0x2] =	wrdreg s24  }
0xb5: {  	[dreg:$0x3] =	wrdreg s16  }
0xb6: {  	[dreg:$0x4] =	wrdreg $0xB0000  }
0xb7: {  	[dreg:$0x5] =	wrdreg $0x9  }
0xb8: {  	_ =	task.clear_ibuf [dreg:s7], $0x6FFFF;
	_ =	strace $0x9000004C  }
0xb9: {  	s29 =	simm.s32 $0x9;
	_ =	strace $0x8000004E  }
0xba: {  	_ =	swait.ge [sflag:s29], $0x1  }
0xbb: {  	[sflag:s29] =	ssyncadd.s32 $0xFFFFFFFF  }
0xbc: {  	_ =	strace $0x9000004E  }
0xbd: {  	_ =	sfence  }
0xbe: {  	s30 =	sld [smem:$0x0];
	_ =	sdelay $0x2  }
0xbf: {  	s31 =	sshll.u32 s1, $0xD;
	s1 =	sshrl.u32 s1, $0x2  }
0xc0: {  	s3 =	sand.u32 $0x4000, s31;
	s1 =	sadd.s32 s1, s30  }
0xc1: {  	s0 =	sor.u32 s3, s0;
	s1 =	sshll.u32 s1, $0x11  }
0xc2: {  	s0 =	sor.u32 s1, s0  }
0xc3: {  	s0 =	sadd.s32 $0x8F2B, s0  }
0xc4: {  	[sflag:s0] =	ssyncadd.remote.s32 $0x1  }
0xc5: {  	_ =	sfence.sel $0xFFFF  }
0xc6: {  	[dreg:$0x0] =	wrdreg $0xFFFFFFFF;
	(pc) =	sbr.abs _section_cstart, $3  }
0xc7: {  	[dreg:$0x1] =	wrdreg $0xFFFFFFFF  }
0xc8: {  	_ =	task.clear_ibuf [dreg:s7], $0x2FFFF;
	_ =	strace $0x9FFFFFFF  }
0xc9: {  	(tm) =	ssettm $0x7FFFFFFF  }
tec
execute0_lowered:
.L_overlay_start_1:
0x0: {  	(tag) =	ssettag $0x1  }
0x1: {  	s5 =	rddreg [dreg:$0x0]  }
0x2: {  	s12 =	rddreg [dreg:$0x1];
	s0 =	stileid.u32  }
0x3: {  	s1 =	srdreg.scid;
	s6 =	smul.u32 $0x70, s0  }
0x4: {  	s2 =	rddreg [dreg:$0x2];
	s4 =	smul.u32 $0x30, s0  }
0x5: {  	s3 =	simm.s32 $0x0;
	s16 =	simm.s32 $0x2;
	s9 =	smul.u32 $0x14000, s0  }
0x6: {  	s7 =	sand.u32 $0x1, s1;
	s1 =	rddreg [dreg:$0x3];
	s30 =	smul.u32 $0x50000, s0  }
0x7: {  	[smem:$0x7FF] =	sst s3;
	s17 =	sshll.u32 s0, $0x6;
	s8 =	smul.u32 $0x140000, s7  }
0x8: {  	_ =	strace $0x8000004D;
	p0 =	seq.s32 s7, $0x0;
	s31 =	ssub.s32 $0x2, s7  }
0x9: {  	s17 =	sor.u32 $0x1C02, s17;
	s10 =	sadd.s32 $0x700, s4;
	s4 =	sadd.s32 $0x2000, s5  }
0xa: {  	s7 =	sshrl.u32 s31, $0x1;
	s10 =	smov.u32 @p0 s6;
	s29 =	sadd.s32 s9, s8  }
0xb: {  	s8 =	sshrl.u32 s30, $0x2;
	s13 =	sshll.u32 s10, $0x4;
	s6 =	sshrl.u32 s29, $0x3  }
0xc: {  	s15 =	ssub.s32 s31, s7;
	s11 =	sadd.s32 s13, s5;
	s14 =	sadd.s32 s6, s5  }
0xd: {  	s5 =	simm.s32 $0x70;
	s6 =	sadd.s32 s8, s2;
	s12 =	sadd.s32 s12, s13  }
0xe: {  	s5 =	simm.s32 @!p0 $0x30;
	s7 =	sadd.s32 $0x4000, s6;
	s8 =	sadd.s32 $0x8000, s6  }
0xf: {  	s9 =	sadd.s32 $0xC000, s6;
	s10 =	sadd.s32 $0x10000, s6;
	s11 =	sadd.s32 $0x5C000, s11  }
0x10: {  	v0 =	vimm.f32 $0.0e+00;
	s13 =	sadd.s32 $0x66400, s14;
	s14 =	smax.u32 s15, $0x1;
	s15 =	simm.s32 $0x7000  }
.LBB2_1:
0x11: {  	s18 =	simm.s32 $0x0;
	s19 =	simm.s32 $0x200  }
.LBB2_2:
0x12: {  	p0 =	sne.s32 s19, $0xFE00;
	[tilespmem:s18+$0x7070] =	vst v0  }
0x13: {  	[tilespmem:s18+$0x7000] =	vst v0  }
0x14: {  	[tilespmem:s18+$0x7010] =	vst v0  }
.Ltmp0:
0x15: {  	[tilespmem:s18+$0x7020] =	vst v0;
	(pc) =	sbr.rel @p0 .LBB2_2-.Ltmp0, $4  }
0x16: {  	[tilespmem:s18+$0x7030] =	vst v0  }
0x17: {  	[tilespmem:s18+$0x7040] =	vst v0  }
0x18: {  	[tilespmem:s18+$0x7050] =	vst v0  }
0x19: {  	[tilespmem:s18+$0x7060] =	vst v0;
	s18 =	sshra.s32 s19, $0x2;
	s19 =	sadd.s32 $0x200, s19  }
0x1a: {  	[tilespmem:s18+$0x7070] =	vst v0  }
0x1b: {  	[tilespmem:s18+$0x7000] =	vst v0  }
0x1c: {  	[tilespmem:s18+$0x7010] =	vst v0  }
0x1d: {  	[tilespmem:s18+$0x7020] =	vst v0  }
0x1e: {  	[tilespmem:s18+$0x7030] =	vst v0  }
0x1f: {  	[tilespmem:s18+$0x7040] =	vst v0  }
0x20: {  	[tilespmem:s18+$0x7050] =	vst v0  }
0x21: {  	[tilespmem:s18+$0x7060] =	vst v0  }
0x22: {  	[spmem:s6] =	stream.linear.scatter [tilespmem:s15], [sflag:$0x2], $0x4000, $0x38;
	[tilespmem:$0x1F000] =	vst v63  }
0x23: {  	_ =	swait.ge [sflag:s16], $0x4000  }
0x24: {  	[sflag:s16] =	ssyncset.done $0x0  }
0x25: {  	[sflag:s16] =	ssyncadd.s32 $0xFFFFC000  }
0x26: {  	[spmem:s7] =	stream.linear.scatter [tilespmem:s15], [sflag:$0x2], $0x4000, $0x38;
	[tilespmem:$0x1F000] =	vst v63  }
0x27: {  	_ =	swait.ge [sflag:s16], $0x4000  }
0x28: {  	[sflag:s16] =	ssyncset.done $0x0  }
0x29: {  	[sflag:s16] =	ssyncadd.s32 $0xFFFFC000  }
0x2a: {  	[spmem:s8] =	stream.linear.scatter [tilespmem:s15], [sflag:$0x2], $0x4000, $0x38;
	[tilespmem:$0x1F000] =	vst v63  }
0x2b: {  	_ =	swait.ge [sflag:s16], $0x4000  }
0x2c: {  	[sflag:s16] =	ssyncset.done $0x0  }
0x2d: {  	[sflag:s16] =	ssyncadd.s32 $0xFFFFC000  }
0x2e: {  	[spmem:s9] =	stream.linear.scatter [tilespmem:s15], [sflag:$0x2], $0x4000, $0x38;
	[tilespmem:$0x1F000] =	vst v63  }
0x2f: {  	_ =	swait.ge [sflag:s16], $0x4000  }
0x30: {  	[sflag:s16] =	ssyncset.done $0x0  }
0x31: {  	[sflag:s16] =	ssyncadd.s32 $0xFFFFC000  }
0x32: {  	[spmem:s10] =	stream.linear.scatter [tilespmem:s15], [sflag:$0x2], $0x4000, $0x38;
	[tilespmem:$0x1F000] =	vst v63  }
0x33: {  	_ =	swait.ge [sflag:s16], $0x4000  }
0x34: {  	[sflag:s16] =	ssyncset.done $0x0  }
0x35: {  	[sflag:s16] =	ssyncadd.s32 $0xFFFFC000  }
0x36: {  	s18 =	simm.s32 $0x0;
	[bflag:$0x0] =	sbarrier.arrive $0xFFFF  }
0x37: {  	[tilespmem:s18], [sflag:$0x2] =	stream.linear.gather [hbm4b:s11+s18], $0x3800, $0x38;
	[tilespmem:$0x1F000] =	vst v63  }
0x38: {  	_ =	swait.ge [sflag:s16], $0x3800  }
0x39: {  	[sflag:s16] =	ssyncset.done $0x0  }
0x3a: {  	s19 =	simm.s32 $0x3800;
	[sflag:s16] =	ssyncadd.s32 $0xFFFFC800  }
0x3b: {  	[tilespmem:s19], [sflag:$0x2] =	stream.linear.gather [hbm4b:s12+s18], $0x3800, $0x38;
	[tilespmem:$0x1F000] =	vst v63  }
0x3c: {  	p0 =	sle.u32 s5, $0x0;
	_ =	swait.ge [sflag:s16], $0x3800  }
0x3d: {  	s20 =	simm.s32 @!p0 $0x80;
	[sflag:s16] =	ssyncset.done $0x0  }
0x3e: {  	s21 =	simm.s32 @!p0 $0x7000;
	s22 =	simm.s32 @!p0 $0x1;
	[sflag:s16] =	ssyncadd.s32 $0xFFFFC800  }
0x3f: {  	[tilespmem:s21], [sflag:$0x1] =	stream.indirect.gather @!p0 [hbm4b:s4+s20], $0x80, s18, s20, $0xb8;
	[tilespmem:$0x1F000] =	vst v63  }
0x40: {  	_ =	swait.ge @!p0 [sflag:s22], $0x4000  }
0x41: {  	[sflag:s22] =	ssyncset.done @!p0 $0x0;
	p0 =	por p0, p0  }
0x42: {  	[sflag:s22] =	ssyncadd.s32 @!p0 $0xFFFFC000  }
0x43: {  	[spmem:s2] =	stream.indirect.scatter.add.f32 @!p0 [tilespmem:s21], [sflag:$0x2], $0x80, s19, s20, $0xb8;
	[tilespmem:$0x1F000] =	vst v63  }
0x44: {  	p1 =	sle.u32 s5, $0x1;
	s18 =	simm.s32 $0x3880;
	s21 =	simm.s32 @!p0 $0x2  }
0x45: {  	s20 =	simm.s32 $0x2;
	s19 =	simm.s32 $0x80;
	_ =	swait.ge @!p0 [sflag:s21], $0x4000  }
.LBB2_4:
0x46: {  	s22 =	simm.s32 @!p1 $0x80;
	s23 =	simm.s32 @!p1 $0x7000;
	[sflag:s21] =	ssyncset.done @!p0 $0x0  }
0x47: {  	s24 =	smov.u32 s20;
	s25 =	smov.u32 s18;
	s20 =	sadd.s32 $0x1, s20  }
0x48: {  	s26 =	simm.s32 @!p1 $0x1;
	[sflag:s21] =	ssyncadd.s32 @!p0 $0xFFFFC000;
	p2 =	sne.s32 s20, $0x70  }
0x49: {  	[tilespmem:s23], [sflag:$0x1] =	stream.indirect.gather @!p1 [hbm4b:s4+s22], $0x80, s19, s22, $0xb8;
	[tilespmem:$0x1F000] =	vst v63  }
.Ltmp1:
0x4a: {  	_ =	swait.ge @!p1 [sflag:s26], $0x4000;
	(pc) =	sbr.rel @p2 .LBB2_4-.Ltmp1, $4  }
0x4b: {  	p0 =	por p1, p1;
	[sflag:s26] =	ssyncset.done @!p1 $0x0  }
0x4c: {  	s18 =	sadd.s32 $0x80, s18;
	s21 =	simm.s32 @!p0 $0x2;
	[sflag:s26] =	ssyncadd.s32 @!p0 $0xFFFFC000  }
0x4d: {  	[spmem:s2] =	stream.indirect.scatter.add.f32 @!p0 [tilespmem:s23], [sflag:$0x2], $0x80, s25, s22, $0xb8;
	[tilespmem:$0x1F000] =	vst v63  }
0x4e: {  	s19 =	sadd.s32 $0x80, s19;
	p1 =	sge.u32 s24, s5;
	_ =	swait.ge @!p0 [sflag:s21], $0x4000  }
0x4f: {  	s20 =	simm.s32 @!p1 $0x80;
	[sflag:s21] =	ssyncset.done @!p0 $0x0  }
0x50: {  	s22 =	simm.s32 @!p1 $0x7000;
	s23 =	simm.s32 @!p1 $0x1;
	[sflag:s21] =	ssyncadd.s32 @!p0 $0xFFFFC000  }
0x51: {  	[tilespmem:s22], [sflag:$0x1] =	stream.indirect.gather @!p1 [hbm4b:s4+s20], $0x80, s19, s20, $0xb8;
	[tilespmem:$0x1F000] =	vst v63  }
0x52: {  	_ =	swait.ge @!p1 [sflag:s23], $0x4000  }
0x53: {  	p0 =	por p1, p1;
	[sflag:s23] =	ssyncset.done @!p1 $0x0  }
0x54: {  	s19 =	simm.s32 @!p0 $0x2;
	[sflag:s23] =	ssyncadd.s32 @!p0 $0xFFFFC000  }
0x55: {  	[spmem:s2] =	stream.indirect.scatter.add.f32 @!p0 [tilespmem:s22], [sflag:$0x2], $0x80, s18, s20, $0xb8;
	[tilespmem:$0x1F000] =	vst v63  }
0x56: {  	_ =	swait.ge @!p0 [sflag:s19], $0x4000  }
0x57: {  	s3 =	sadd.s32 $0x1, s3;
	[sflag:s19] =	ssyncset.done @!p0 $0x0  }
0x58: {  	[sflag:s19] =	ssyncadd.s32 @!p0 $0xFFFFC000;
	p0 =	sne.s32 s3, s14  }
.Ltmp2:
0x59: {  	s31 =	sshrl.u32 s6, $0x3;
	[bflag:$0x0] =	sbarrier.arrive $0xFFFF;
	(pc) =	sbr.rel @p0 .LBB2_1-.Ltmp2, $4  }
0x5a: {  	[hbm:s13], [sflag:s17] =	dma.local [spmem:s31], $0x2800  }
0x5b: {  	_ =	swait.ge [sflag:s16], $0x2800  }
0x5c: {  	[sflag:s16] =	ssyncset.done $0x0  }
0x5d: {  	[sflag:s16] =	ssyncadd.s32 $0xFFFFD800  }
0x5e: {  	_ =	sfence.sel $0x180000  }
0x5f: {  	[bflag:$0x0] =	sbarrier.arrive $0xFFFF  }
0x60: {  	p0 =	sne.s32 s0, $0x0;
	_ =	strace $0x9000004D  }
0x61: {  	s0 =	sadd.s32 @!p0 $0x100000, s1;
	[bflag:$0x2] =	sbarrier.arrive $0xFFFF  }
0x62: {  	[sflag:s0] =	ssyncadd.tile.s32 @!p0 $0x1;
	_ =	shalt  }
.Lfunc_end2:
_tile_overlayer_lowered:
.L_overlay_start_2:
0x63: {  	(tag) =	ssettag $0x2  }
0x64: {  	s0 =	rddreg [dreg:$0x0];
	s2 =	stileid.u32  }
0x65: {  	s1 =	rddreg [dreg:$0x1];
	p0 =	sne.s32 s2, $0x0  }
0x66: {  	s3 =	rddreg [dreg:$0x2];
	[bflag:$0x3] =	sbarrier.arrive $0xFFFF;
	s2 =	simm.s32 @!p0 $0x1C02  }
0x67: {  	[timem:s3], [sflag:s2] =	dma.local @!p0 [hbm:s0], s1  }
0x68: {  	s0 =	simm.s32 @!p0 $0x2  }
0x69: {  	_ =	swait.ge @!p0 [sflag:s0], s1  }
0x6a: {  	s1 =	ssub.s32 @!p0 $0x0, s1;
	[sflag:s0] =	ssyncset.done @!p0 $0x0  }
0x6b: {  	[sflag:s0] =	ssyncadd.s32 @!p0 s1  }
0x6c: {  	[bflag:$0x3] =	sbarrier.arrive $0xFFFF  }
0x6d: {  	_ =	shalt  }

// kernel: kernel.18.cloned.1.call-start
scs
__scs_entry_jumppad:
0x0: {  	(pc) =	sbr.rel $0x88, $3  }
0x1: {  	(tag) =	ssettag $0x0;
	lr =	simm.s32 $0x1  }
0x2: {  	[smem:$0x3F9C] =	sst lr;
	_ =	strace $0xD0000000  }
0x3: {  	_ = 	snop  }
0x4: {  	_ = 	snop  }
0x5: {  	_ = 	snop  }
0x6: {  	_ = 	snop  }
0x7: {  	_ = 	snop  }
__scs_overlays_trampoline_lowered:
0x8: {  	[smem:$0x3FAB] =	sst s0  }
0x9: {  	[smem:$0x3FAC] =	sst s1  }
0xa: {  	[smem:$0x3FAD] =	sst s2  }
0xb: {  	[smem:$0x3FAE] =	sst s3  }
0xc: {  	[smem:$0x3FAF] =	sst s4  }
0xd: {  	[smem:$0x3FB0] =	sst s5  }
0xe: {  	[smem:$0x3FB1] =	sst s6  }
0xf: {  	[smem:$0x3FB2] =	sst s7  }
0x10: {  	[smem:$0x3FB3] =	sst s8  }
0x11: {  	[smem:$0x3FB4] =	sst s9;
	s0 =	simm.s32 @!p0 $0x0  }
0x12: {  	s1 =	sld [smem:$0x3F9A];
	s0 =	simm.s32 @p0 $0x1  }
0x13: {  	[smem:$0x3FB5] =	sst s0;
	s0 =	simm.s32 @!p1 $0x0  }
0x14: {  	s2 =	sld [smem:$0x3F99];
	s0 =	simm.s32 @p1 $0x1  }
0x15: {  	[smem:$0x3FB6] =	sst s0;
	s0 =	simm.s32 @!p2 $0x0  }
0x16: {  	s3 =	sld [smem:$0x3FDB];
	s0 =	simm.s32 @p2 $0x1  }
0x17: {  	s4 =	simm.s32 $0x1BF5;
	[smem:$0x3FB8] =	sst s0  }
0x18: {  	s0 =	sld [smem:$0x3F9B];
	_ =	swait.ge [sflag:s4], $0x0  }
0x19: {  	s7 =	sld [smem:$0x3F9C]  }
0x1a: {  	s8 =	sadd.s32 $0xFFFFE003, lr  }
0x1b: {  	s9 =	sadd.s32 $0xFFFFFEF7, lr;
	s5 =	simm.s32 $0xFFFFFFFF;
	p2 =	slt.u32 s8, $0xFFFFF086  }
0x1c: {  	p1 =	slt.u32 s9, $0xF7A;
	s5 =	simm.s32 @!p2 $0x0  }
0x1d: {  	s5 =	simm.s32 @p1 $0x1;
	p0 =	seq.s32 s7, s2  }
0x1e: {  	s7 =	smul.u32 @!p0 $0xF7A, s2;
	p2 =	seq.s32 @!p0 s5, $0x0  }
0x1f: {  	s9 =	smul.u32 $0xF7A, s1;
	s8 =	simm.s32 @!p0 $0x1BF5;
	p2 =	por !p2, p0  }
0x20: {  	[sflag:s8] =	ssyncset.s32 @!p0 $0xFFFFF086;
	s6 =	sadd.s32 @!p0 s3, s7;
	s7 =	simm.s32 @!p0 $0x108  }
0x21: {  	s3 =	sadd.s32 s3, s9;
	s6 =	sadd.s32 @!p0 $0x88, s6;
	s7 =	simm.s32 @p2 $0x1082  }
0x22: {  	[simem:s7], [sflag:s8] =	dma.local @!p0 [hbm:s6], $0xF7A  }
0x23: {  	s9 =	sor.u32 $0xD0000000, s2;
	s6 =	simm.s32 $0x108;
	_ =	swait.ge @!p0 [sflag:s8], $0x0  }
0x24: {  	s3 =	sadd.s32 $0x88, s3;
	s6 =	simm.s32 @!p1 $0x1082;
	[sflag:s4] =	ssyncset.s32 $0xFFFFF086  }
0x25: {  	[simem:s6], [sflag:s4] =	dma.local [hbm:s3], $0xF7A  }
0x26: {  	[smem:$0x3F9C] =	sst s1;
	(tag) =	ssettag s2;
	_ =	strace s9  }
0x27: {  	s1 =	sld [smem:$0x3FAC]  }
0x28: {  	s2 =	sld [smem:$0x3FAD]  }
0x29: {  	s4 =	sld [smem:$0x3FAF]  }
0x2a: {  	p0 =	seq.s32 s5, $0x0;
	s5 =	sld [smem:$0x3FB0]  }
0x2b: {  	s6 =	sld [smem:$0x3FB1]  }
0x2c: {  	s7 =	sld [smem:$0x3FB2]  }
0x2d: {  	s3 =	simm.s32 $0x108;
	s8 =	sld [smem:$0x3FB3]  }
0x2e: {  	s3 =	simm.s32 @!p0 $0x1082;
	s9 =	sld [smem:$0x3FB4]  }
0x2f: {  	lr =	sadd.s32 s0, s3;
	s0 =	sld [smem:$0x3FAB]  }
0x30: {  	s3 =	sld [smem:$0x3FAE]  }
0x31: {  	[smem:$0x3FB7] =	sst s10  }
0x32: {  	s10 =	sld [smem:$0x3FB5];
	_ =	sdelay $0x3  }
0x33: {  	p0 =	seq.s32 s10, $0x1;
	s10 =	sld [smem:$0x3FB7];
	_ =	sdelay $0x3  }
0x34: {  	[smem:$0x3FB7] =	sst s10  }
0x35: {  	s10 =	sld [smem:$0x3FB6];
	_ =	sdelay $0x3  }
0x36: {  	p1 =	seq.s32 s10, $0x1;
	s10 =	sld [smem:$0x3FB7];
	_ =	sdelay $0x3  }
0x37: {  	[smem:$0x3FB7] =	sst s10  }
0x38: {  	s10 =	sld [smem:$0x3FB8]  }
0x39: {  	_ = 	snop;
	(pc) =	sbr.ind lr, $3  }
0x3a: {  	_ = 	snop  }
0x3b: {  	_ = 	snop  }
0x3c: {  	p2 =	seq.s32 s10, $0x1;
	s10 =	sld [smem:$0x3FB7]  }
0x3d: {  	_ =	shalt  }
0x3e: {  	_ =	shalt  }
0x3f: {  	_ =	shalt  }
0x40: {  	_ =	shalt  }
0x41: {  	_ =	shalt  }
0x42: {  	_ =	shalt  }
0x43: {  	_ =	shalt  }
0x44: {  	_ =	shalt  }
0x45: {  	_ =	shalt  }
0x46: {  	_ =	shalt  }
0x47: {  	_ =	shalt  }
0x48: {  	_ =	shalt  }
0x49: {  	_ =	shalt  }
0x4a: {  	_ =	shalt  }
0x4b: {  	_ =	shalt  }
0x4c: {  	_ =	shalt  }
0x4d: {  	_ =	shalt  }
0x4e: {  	_ =	shalt  }
0x4f: {  	_ =	shalt  }
0x50: {  	_ =	shalt  }
0x51: {  	_ =	shalt  }
0x52: {  	_ =	shalt  }
0x53: {  	_ =	shalt  }
0x54: {  	_ =	shalt  }
0x55: {  	_ =	shalt  }
0x56: {  	_ =	shalt  }
0x57: {  	_ =	shalt  }
0x58: {  	_ =	shalt  }
0x59: {  	_ =	shalt  }
0x5a: {  	_ =	shalt  }
0x5b: {  	_ =	shalt  }
0x5c: {  	_ =	shalt  }
0x5d: {  	_ =	shalt  }
0x5e: {  	_ =	shalt  }
0x5f: {  	_ =	shalt  }
0x60: {  	_ =	shalt  }
0x61: {  	_ =	shalt  }
0x62: {  	_ =	shalt  }
0x63: {  	_ =	shalt  }
0x64: {  	_ =	shalt  }
0x65: {  	_ =	shalt  }
0x66: {  	_ =	shalt  }
0x67: {  	_ =	shalt  }
0x68: {  	_ =	shalt  }
0x69: {  	_ =	shalt  }
0x6a: {  	_ =	shalt  }
0x6b: {  	_ =	shalt  }
0x6c: {  	_ =	shalt  }
0x6d: {  	_ =	shalt  }
0x6e: {  	_ =	shalt  }
0x6f: {  	_ =	shalt  }
0x70: {  	_ =	shalt  }
0x71: {  	_ =	shalt  }
0x72: {  	_ =	shalt  }
0x73: {  	_ =	shalt  }
0x74: {  	_ =	shalt  }
0x75: {  	_ =	shalt  }
0x76: {  	_ =	shalt  }
0x77: {  	_ =	shalt  }
0x78: {  	_ =	shalt  }
0x79: {  	_ =	shalt  }
0x7a: {  	_ =	shalt  }
0x7b: {  	_ =	shalt  }
0x7c: {  	_ =	shalt  }
0x7d: {  	_ =	shalt  }
0x7e: {  	_ =	shalt  }
0x7f: {  	_ =	shalt  }
0x80: {  	_ =	shalt  }
0x81: {  	_ =	shalt  }
0x82: {  	_ =	shalt  }
0x83: {  	_ =	shalt  }
0x84: {  	_ =	shalt  }
0x85: {  	_ =	shalt  }
0x86: {  	_ =	shalt  }
0x87: {  	_ =	shalt  }
.Lfunc_end0:
.L_simem_size_0:
called_computation.3_lowered:
.L_overlay_start_0:
0x88: {  	s2 =	sld [smem:$0x3FD9]  }
0x89: {  	s3 =	sld [smem:$0x3FFE];
	_ =	sdelay $0x1  }
0x8a: {  	s1 =	srdreg.scid  }
0x8b: {  	s0 =	sand.u32 $0x1, s1  }
0x8c: {  	s14 =	sshll.u32 s0, $0xA;
	s2 =	sadd.s32 s3, s2  }
0x8d: {  	s2 =	sadd.s32 s2, s14  }
0x8e: {  	[smem:$0x3FC3] =	sst s2  }
0x8f: {  	_ = 	snop  }
0x90: {  	s2 =	sld [smem:$0x3FD0];
	_ =	sdelay $0x2  }
0x91: {  	s15 =	simm.s32 $0xA;
	s4 =	simm.s32 $0x10  }
0x92: {  	[smem:s4], [sflag:s15] =	dma.local [hbm:s2], $0x1  }
0x93: {  	_ =	swait.eq [sflag:s15], $0x1  }
0x94: {  	[sflag:s15] =	ssyncset.done $0x0  }
0x95: {  	[sflag:s15] =	ssyncadd.s32 $0xFFFFFFFF  }
0x96: {  	s16 =	sld [smem:$0x10];
	(tm) =	ssettm $0x1  }
0x97: {  	s17 =	sld [smem:$0x3FFB];
	_ =	sdelay $0x3  }
0x98: {  	_ =	strace s17  }
0x99: {  	s3 =	sld [smem:$0x3FFC];
	_ =	sdelay $0x3  }
0x9a: {  	_ =	strace s3  }
0x9b: {  	s3 =	sld [smem:$0x3FFD];
	_ =	sdelay $0x3  }
0x9c: {  	_ =	strace s3  }
0x9d: {  	_ =	strace $0x8FFFFFFF  }
0x9e: {  	s18 =	sld [smem:$0x3FDB];
	_ =	sdelay $0x1  }
0x9f: {  	s19 =	simm.s32 $_scs_section_size  }
0xa0: {  	s5 =	simm.s32 $_size__tile_overlayer_lowered;
	s6 =	simm.s32 $_tile_overlayer_lowered  }
0xa1: {  	s22 =	simm.s32 $0x1BFF;
	s21 =	sshll.u32 s6, $0x1;
	s3 =	sadd.s32 s19, s18  }
0xa2: {  	s7 =	simm.s32 $0x0;
	s20 =	sshll.u32 s5, $0x1;
	s5 =	sadd.s32 s21, s3  }
0xa3: {  	[timem:s7], [sflag:s22] =	dma.local [hbm:s5], s20  }
0xa4: {  	_ =	swait.ge [sflag:s22], s20  }
0xa5: {  	s4 =	ssub.s32 $0x0, s20;
	[sflag:s22] =	ssyncset.done $0x0  }
0xa6: {  	[sflag:s22] =	ssyncadd.s32 s4;
	_ =	sdelay $0x1  }
0xa7: {  	s23 =	simm.s32 $0x1B8B  }
0xa8: {  	_ =	swait.ge [sflag:s23], $0x1  }
0xa9: {  	[sflag:s23] =	ssyncset.done $0x0  }
0xaa: {  	s25 =	simm.s32 $0x1B8E;
	s24 =	sld [smem:$0x3FFE];
	[sflag:s23] =	ssyncadd.s32 $0xFFFFFFFF  }
0xab: {  	s26 =	simm.s32 $execute0_lowered;
	[smem:$0x3FD2] =	sst s25  }
0xac: {  	s5 =	sshll.u32 s26, $0x1;
	_ =	strace $0x8000004F;
	[dreg:$0x1] =	wrdreg $0xFFFFFFFF  }
0xad: {  	s28 =	simm.s32 $_size_execute0_lowered;
	s3 =	sadd.s32 s3, s5;
	[dreg:$0x0] =	wrdreg $0x0  }
0xae: {  	s5 =	sshll.u32 s28, $0x1;
	[dreg:$0x2] =	wrdreg s3  }
0xaf: {  	[dreg:$0x3] =	wrdreg s5  }
0xb0: {  	[dreg:$0x4] =	wrdreg $0xC0  }
0xb1: {  	_ =	task [dreg:s7], $0x5FFFF  }
0xb2: {  	[dreg:$0x1] =	wrdreg $0xFFFFFFFF  }
0xb3: {  	[dreg:$0x0] =	wrdreg $0x60  }
0xb4: {  	[dreg:$0x2] =	wrdreg s24  }
0xb5: {  	[dreg:$0x3] =	wrdreg s16  }
0xb6: {  	[dreg:$0x4] =	wrdreg $0x9  }
0xb7: {  	_ =	task.clear_ibuf [dreg:s7], $0x5FFFF;
	_ =	strace $0x9000004F  }
0xb8: {  	s29 =	simm.s32 $0x9;
	_ =	strace $0x80000051  }
0xb9: {  	_ =	swait.ge [sflag:s29], $0x1  }
0xba: {  	[sflag:s29] =	ssyncadd.s32 $0xFFFFFFFF  }
0xbb: {  	_ =	strace $0x90000051  }
0xbc: {  	_ =	sfence  }
0xbd: {  	s30 =	sld [smem:$0x0];
	_ =	sdelay $0x2  }
0xbe: {  	s31 =	sshll.u32 s1, $0xD;
	s1 =	sshrl.u32 s1, $0x2  }
0xbf: {  	s3 =	sand.u32 $0x4000, s31;
	s1 =	sadd.s32 s1, s30  }
0xc0: {  	s0 =	sor.u32 s3, s0;
	s1 =	sshll.u32 s1, $0x11  }
0xc1: {  	s0 =	sor.u32 s1, s0  }
0xc2: {  	s0 =	sadd.s32 $0x8F2B, s0  }
0xc3: {  	[sflag:s0] =	ssyncadd.remote.s32 $0x1  }
0xc4: {  	_ =	sfence.sel $0xFFFF  }
0xc5: {  	[dreg:$0x0] =	wrdreg $0xFFFFFFFF;
	(pc) =	sbr.abs _section_cstart, $3  }
0xc6: {  	[dreg:$0x1] =	wrdreg $0xFFFFFFFF  }
0xc7: {  	_ =	task.clear_ibuf [dreg:s7], $0x2FFFF;
	_ =	strace $0x9FFFFFFF  }
0xc8: {  	(tm) =	ssettm $0x7FFFFFFF  }
0xc9: {  	_ =	shalt  }
tec
execute0_lowered:
.L_overlay_start_1:
0x0: {  	(tag) =	ssettag $0x1  }
0x1: {  	s0 =	srdreg.scid  }
0x2: {  	s5 =	rddreg [dreg:$0x0];
	s6 =	sand.u32 $0x1, s0  }
0x3: {  	s9 =	rddreg [dreg:$0x1];
	s0 =	stileid.u32;
	s1 =	sshll.u32 s6, $0x4  }
0x4: {  	s7 =	simm.s32 $0x80;
	s2 =	sshll.u32 s0, $0x4;
	s10 =	sor.u32 s0, s1  }
0x5: {  	s1 =	rddreg [dreg:$0x2];
	s3 =	sand.u32 $0x70, s2;
	s4 =	sshll.u32 s10, $0x4  }
0x6: {  	s2 =	simm.s32 $0x0;
	s3 =	sadd.s32 s3, s5;
	s4 =	sand.u32 $0x180, s4  }
0x7: {  	s11 =	ssub.s32 $0x2, s6;
	[smem:$0x7FF] =	sst s2;
	s3 =	sadd.s32 s4, s3  }
0x8: {  	_ =	strace $0x80000050;
	s4 =	sadd.s32 $0x2A000, s3;
	s3 =	simm.s32 $0x2  }
0x9: {  	[tilespmem:s2], [sflag:$0x2] =	stream.linear.gather [hbm4b:s4+s2], $0x80, $0x38;
	[tilespmem:$0x1080] =	vst v63  }
0xa: {  	s8 =	simm.s32 $0x1;
	s12 =	sshrl.u32 s11, $0x1;
	_ =	swait.ge [sflag:s3], $0x80  }
0xb: {  	s6 =	simm.s32 $0x20;
	s11 =	ssub.s32 s11, s12;
	[sflag:s3] =	ssyncset.done $0x0  }
0xc: {  	s5 =	sadd.s32 $0x2000, s5;
	s31 =	smax.u32 s11, $0x1;
	[sflag:s3] =	ssyncadd.s32 $0xFFFFFF80  }
0xd: {  	[tilespmem:s7], [sflag:$0x1] =	stream.indirect.gather [hbm4b:s5+s6], $0x80, s2, s6, $0xb8;
	[tilespmem:$0x1080] =	vst v63  }
0xe: {  	p0 =	sne.s32 s31, $0x1;
	_ =	swait.ge [sflag:s8], $0x1000  }
.Ltmp0:
0xf: {  	s10 =	sshll.u32 s10, $0x9;
	[sflag:s8] =	ssyncset.done $0x0;
	(pc) =	sbr.rel @!p0 .LBB2_2-.Ltmp0, $4  }
0x10: {  	s9 =	sadd.s32 s9, s10;
	[sflag:s8] =	ssyncadd.s32 $0xFFFFF000  }
0x11: {  	[hbm4b:s9+s2] =	stream.linear.scatter [tilespmem:s7], [sflag:$0x2], $0x1000, $0x38;
	[tilespmem:$0x1080] =	vst v63  }
0x12: {  	_ =	swait.ge [sflag:s3], $0x1000  }
0x13: {  	s10 =	sadd.s32 $0xFFFFFFFF, s31;
	[sflag:s3] =	ssyncset.done $0x0  }
.LBB2_1:
0x14: {  	p0 =	sne.s32 s10, $0x1;
	s10 =	sadd.s32 $0xFFFFFFFF, s10;
	[sflag:s3] =	ssyncadd.s32 $0xFFFFF000  }
0x15: {  	[tilespmem:s2], [sflag:$0x2] =	stream.linear.gather [hbm4b:s4+s2], $0x80, $0x38;
	[tilespmem:$0x1080] =	vst v63  }
0x16: {  	_ =	swait.ge [sflag:s3], $0x80  }
0x17: {  	[sflag:s3] =	ssyncset.done $0x0  }
0x18: {  	[sflag:s3] =	ssyncadd.s32 $0xFFFFFF80  }
0x19: {  	[tilespmem:s7], [sflag:$0x1] =	stream.indirect.gather [hbm4b:s5+s6], $0x80, s2, s6, $0xb8;
	[tilespmem:$0x1080] =	vst v63  }
0x1a: {  	_ =	swait.ge [sflag:s8], $0x1000  }
.Ltmp1:
0x1b: {  	[sflag:s8] =	ssyncset.done $0x0;
	(pc) =	sbr.rel @p0 .LBB2_1-.Ltmp1, $4  }
0x1c: {  	[sflag:s8] =	ssyncadd.s32 $0xFFFFF000  }
0x1d: {  	[hbm4b:s9+s2] =	stream.linear.scatter [tilespmem:s7], [sflag:$0x2], $0x1000, $0x38;
	[tilespmem:$0x1080] =	vst v63  }
0x1e: {  	_ =	swait.ge [sflag:s3], $0x1000  }
0x1f: {  	[sflag:s3] =	ssyncset.done $0x0  }
.LBB2_2:
0x20: {  	[sflag:s3] =	ssyncadd.s32 $0xFFFFF000  }
0x21: {  	_ =	sfence.sel $0x180000  }
0x22: {  	[bflag:$0x0] =	sbarrier.arrive $0xFFFF  }
0x23: {  	p0 =	sne.s32 s0, $0x0;
	_ =	strace $0x90000050  }
0x24: {  	s0 =	sadd.s32 @!p0 $0x100000, s1;
	[bflag:$0x2] =	sbarrier.arrive $0xFFFF  }
0x25: {  	[sflag:s0] =	ssyncadd.tile.s32 @!p0 $0x1;
	_ =	shalt  }
.Lfunc_end2:
_tile_overlayer_lowered:
.L_overlay_start_2:
0x26: {  	(tag) =	ssettag $0x2  }
0x27: {  	s0 =	rddreg [dreg:$0x0];
	s2 =	stileid.u32  }
0x28: {  	s1 =	rddreg [dreg:$0x1];
	p0 =	sne.s32 s2, $0x0  }
0x29: {  	s3 =	rddreg [dreg:$0x2];
	[bflag:$0x3] =	sbarrier.arrive $0xFFFF;
	s2 =	simm.s32 @!p0 $0x1C02  }
0x2a: {  	[timem:s3], [sflag:s2] =	dma.local @!p0 [hbm:s0], s1  }
0x2b: {  	s0 =	simm.s32 @!p0 $0x2  }
0x2c: {  	_ =	swait.ge @!p0 [sflag:s0], s1  }
0x2d: {  	s1 =	ssub.s32 @!p0 $0x0, s1;
	[sflag:s0] =	ssyncset.done @!p0 $0x0  }
0x2e: {  	[sflag:s0] =	ssyncadd.s32 @!p0 s1  }
0x2f: {  	[bflag:$0x3] =	sbarrier.arrive $0xFFFF  }
0x30: {  	_ =	shalt  }

// kernel: kernel.9.cloned.1.call-start
scs
__scs_entry_jumppad:
0x0: {  	(pc) =	sbr.rel $0x88, $3  }
0x1: {  	(tag) =	ssettag $0x0;
	lr =	simm.s32 $0x1  }
0x2: {  	[smem:$0x3F9C] =	sst lr;
	_ =	strace $0xD0000000  }
0x3: {  	_ = 	snop  }
0x4: {  	_ = 	snop  }
0x5: {  	_ = 	snop  }
0x6: {  	_ = 	snop  }
0x7: {  	_ = 	snop  }
__scs_overlays_trampoline_lowered:
0x8: {  	[smem:$0x3FAB] =	sst s0  }
0x9: {  	[smem:$0x3FAC] =	sst s1  }
0xa: {  	[smem:$0x3FAD] =	sst s2  }
0xb: {  	[smem:$0x3FAE] =	sst s3  }
0xc: {  	[smem:$0x3FAF] =	sst s4  }
0xd: {  	[smem:$0x3FB0] =	sst s5  }
0xe: {  	[smem:$0x3FB1] =	sst s6  }
0xf: {  	[smem:$0x3FB2] =	sst s7  }
0x10: {  	[smem:$0x3FB3] =	sst s8  }
0x11: {  	[smem:$0x3FB4] =	sst s9;
	s0 =	simm.s32 @!p0 $0x0  }
0x12: {  	s1 =	sld [smem:$0x3F9A];
	s0 =	simm.s32 @p0 $0x1  }
0x13: {  	[smem:$0x3FB5] =	sst s0;
	s0 =	simm.s32 @!p1 $0x0  }
0x14: {  	s2 =	sld [smem:$0x3F99];
	s0 =	simm.s32 @p1 $0x1  }
0x15: {  	[smem:$0x3FB6] =	sst s0;
	s0 =	simm.s32 @!p2 $0x0  }
0x16: {  	s3 =	sld [smem:$0x3FDB];
	s0 =	simm.s32 @p2 $0x1  }
0x17: {  	s4 =	simm.s32 $0x1BF5;
	[smem:$0x3FB8] =	sst s0  }
0x18: {  	s0 =	sld [smem:$0x3F9B];
	_ =	swait.ge [sflag:s4], $0x0  }
0x19: {  	s7 =	sld [smem:$0x3F9C]  }
0x1a: {  	s8 =	sadd.s32 $0xFFFFE003, lr  }
0x1b: {  	s9 =	sadd.s32 $0xFFFFFEF7, lr;
	s5 =	simm.s32 $0xFFFFFFFF;
	p2 =	slt.u32 s8, $0xFFFFF086  }
0x1c: {  	p1 =	slt.u32 s9, $0xF7A;
	s5 =	simm.s32 @!p2 $0x0  }
0x1d: {  	s5 =	simm.s32 @p1 $0x1;
	p0 =	seq.s32 s7, s2  }
0x1e: {  	s7 =	smul.u32 @!p0 $0xF7A, s2;
	p2 =	seq.s32 @!p0 s5, $0x0  }
0x1f: {  	s9 =	smul.u32 $0xF7A, s1;
	s8 =	simm.s32 @!p0 $0x1BF5;
	p2 =	por !p2, p0  }
0x20: {  	[sflag:s8] =	ssyncset.s32 @!p0 $0xFFFFF086;
	s6 =	sadd.s32 @!p0 s3, s7;
	s7 =	simm.s32 @!p0 $0x108  }
0x21: {  	s3 =	sadd.s32 s3, s9;
	s6 =	sadd.s32 @!p0 $0x88, s6;
	s7 =	simm.s32 @p2 $0x1082  }
0x22: {  	[simem:s7], [sflag:s8] =	dma.local @!p0 [hbm:s6], $0xF7A  }
0x23: {  	s9 =	sor.u32 $0xD0000000, s2;
	s6 =	simm.s32 $0x108;
	_ =	swait.ge @!p0 [sflag:s8], $0x0  }
0x24: {  	s3 =	sadd.s32 $0x88, s3;
	s6 =	simm.s32 @!p1 $0x1082;
	[sflag:s4] =	ssyncset.s32 $0xFFFFF086  }
0x25: {  	[simem:s6], [sflag:s4] =	dma.local [hbm:s3], $0xF7A  }
0x26: {  	[smem:$0x3F9C] =	sst s1;
	(tag) =	ssettag s2;
	_ =	strace s9  }
0x27: {  	s1 =	sld [smem:$0x3FAC]  }
0x28: {  	s2 =	sld [smem:$0x3FAD]  }
0x29: {  	s4 =	sld [smem:$0x3FAF]  }
0x2a: {  	p0 =	seq.s32 s5, $0x0;
	s5 =	sld [smem:$0x3FB0]  }
0x2b: {  	s6 =	sld [smem:$0x3FB1]  }
0x2c: {  	s7 =	sld [smem:$0x3FB2]  }
0x2d: {  	s3 =	simm.s32 $0x108;
	s8 =	sld [smem:$0x3FB3]  }
0x2e: {  	s3 =	simm.s32 @!p0 $0x1082;
	s9 =	sld [smem:$0x3FB4]  }
0x2f: {  	lr =	sadd.s32 s0, s3;
	s0 =	sld [smem:$0x3FAB]  }
0x30: {  	s3 =	sld [smem:$0x3FAE]  }
0x31: {  	[smem:$0x3FB7] =	sst s10  }
0x32: {  	s10 =	sld [smem:$0x3FB5];
	_ =	sdelay $0x3  }
0x33: {  	p0 =	seq.s32 s10, $0x1;
	s10 =	sld [smem:$0x3FB7];
	_ =	sdelay $0x3  }
0x34: {  	[smem:$0x3FB7] =	sst s10  }
0x35: {  	s10 =	sld [smem:$0x3FB6];
	_ =	sdelay $0x3  }
0x36: {  	p1 =	seq.s32 s10, $0x1;
	s10 =	sld [smem:$0x3FB7];
	_ =	sdelay $0x3  }
0x37: {  	[smem:$0x3FB7] =	sst s10  }
0x38: {  	s10 =	sld [smem:$0x3FB8]  }
0x39: {  	_ = 	snop;
	(pc) =	sbr.ind lr, $3  }
0x3a: {  	_ = 	snop  }
0x3b: {  	_ = 	snop  }
0x3c: {  	p2 =	seq.s32 s10, $0x1;
	s10 =	sld [smem:$0x3FB7]  }
0x3d: {  	_ =	shalt  }
0x3e: {  	_ =	shalt  }
0x3f: {  	_ =	shalt  }
0x40: {  	_ =	shalt  }
0x41: {  	_ =	shalt  }
0x42: {  	_ =	shalt  }
0x43: {  	_ =	shalt  }
0x44: {  	_ =	shalt  }
0x45: {  	_ =	shalt  }
0x46: {  	_ =	shalt  }
0x47: {  	_ =	shalt  }
0x48: {  	_ =	shalt  }
0x49: {  	_ =	shalt  }
0x4a: {  	_ =	shalt  }
0x4b: {  	_ =	shalt  }
0x4c: {  	_ =	shalt  }
0x4d: {  	_ =	shalt  }
0x4e: {  	_ =	shalt  }
0x4f: {  	_ =	shalt  }
0x50: {  	_ =	shalt  }
0x51: {  	_ =	shalt  }
0x52: {  	_ =	shalt  }
0x53: {  	_ =	shalt  }
0x54: {  	_ =	shalt  }
0x55: {  	_ =	shalt  }
0x56: {  	_ =	shalt  }
0x57: {  	_ =	shalt  }
0x58: {  	_ =	shalt  }
0x59: {  	_ =	shalt  }
0x5a: {  	_ =	shalt  }
0x5b: {  	_ =	shalt  }
0x5c: {  	_ =	shalt  }
0x5d: {  	_ =	shalt  }
0x5e: {  	_ =	shalt  }
0x5f: {  	_ =	shalt  }
0x60: {  	_ =	shalt  }
0x61: {  	_ =	shalt  }
0x62: {  	_ =	shalt  }
0x63: {  	_ =	shalt  }
0x64: {  	_ =	shalt  }
0x65: {  	_ =	shalt  }
0x66: {  	_ =	shalt  }
0x67: {  	_ =	shalt  }
0x68: {  	_ =	shalt  }
0x69: {  	_ =	shalt  }
0x6a: {  	_ =	shalt  }
0x6b: {  	_ =	shalt  }
0x6c: {  	_ =	shalt  }
0x6d: {  	_ =	shalt  }
0x6e: {  	_ =	shalt  }
0x6f: {  	_ =	shalt  }
0x70: {  	_ =	shalt  }
0x71: {  	_ =	shalt  }
0x72: {  	_ =	shalt  }
0x73: {  	_ =	shalt  }
0x74: {  	_ =	shalt  }
0x75: {  	_ =	shalt  }
0x76: {  	_ =	shalt  }
0x77: {  	_ =	shalt  }
0x78: {  	_ =	shalt  }
0x79: {  	_ =	shalt  }
0x7a: {  	_ =	shalt  }
0x7b: {  	_ =	shalt  }
0x7c: {  	_ =	shalt  }
0x7d: {  	_ =	shalt  }
0x7e: {  	_ =	shalt  }
0x7f: {  	_ =	shalt  }
0x80: {  	_ =	shalt  }
0x81: {  	_ =	shalt  }
0x82: {  	_ =	shalt  }
0x83: {  	_ =	shalt  }
0x84: {  	_ =	shalt  }
0x85: {  	_ =	shalt  }
0x86: {  	_ =	shalt  }
0x87: {  	_ =	shalt  }
.Lfunc_end0:
.L_simem_size_0:
called_computation_lowered:
.L_overlay_start_0:
0x88: {  	s2 =	sld [smem:$0x3FD9]  }
0x89: {  	s3 =	sld [smem:$0x3FFE];
	_ =	sdelay $0x1  }
0x8a: {  	s1 =	srdreg.scid  }
0x8b: {  	s0 =	sand.u32 $0x1, s1  }
0x8c: {  	s16 =	sshll.u32 s0, $0xA;
	s2 =	sadd.s32 s3, s2  }
0x8d: {  	s2 =	sadd.s32 s2, s16  }
0x8e: {  	[smem:$0x3FC3] =	sst s2  }
0x8f: {  	_ = 	snop  }
0x90: {  	(tm) =	ssettm $0x1  }
0x91: {  	s17 =	sld [smem:$0x3FFB];
	_ =	sdelay $0x3  }
0x92: {  	_ =	strace s17  }
0x93: {  	s2 =	sld [smem:$0x3FFC];
	_ =	sdelay $0x3  }
0x94: {  	_ =	strace s2  }
0x95: {  	s2 =	sld [smem:$0x3FFD];
	_ =	sdelay $0x3  }
0x96: {  	_ =	strace s2  }
0x97: {  	_ =	strace $0x8FFFFFFF  }
0x98: {  	s18 =	sld [smem:$0x3FDB];
	_ =	sdelay $0x1  }
0x99: {  	s19 =	simm.s32 $_scs_section_size  }
0x9a: {  	s4 =	simm.s32 $_size__tile_overlayer_lowered;
	s5 =	simm.s32 $_tile_overlayer_lowered  }
0x9b: {  	s22 =	simm.s32 $0x1BFF;
	s21 =	sshll.u32 s5, $0x1;
	s2 =	sadd.s32 s19, s18  }
0x9c: {  	s6 =	simm.s32 $0x0;
	s20 =	sshll.u32 s4, $0x1;
	s4 =	sadd.s32 s21, s2  }
0x9d: {  	[timem:s6], [sflag:s22] =	dma.local [hbm:s4], s20  }
0x9e: {  	_ =	swait.ge [sflag:s22], s20  }
0x9f: {  	s3 =	ssub.s32 $0x0, s20;
	[sflag:s22] =	ssyncset.done $0x0  }
0xa0: {  	[sflag:s22] =	ssyncadd.s32 s3;
	_ =	sdelay $0x1  }
0xa1: {  	s23 =	simm.s32 $0x1B8B  }
0xa2: {  	_ =	swait.ge [sflag:s23], $0x1  }
0xa3: {  	[sflag:s23] =	ssyncset.done $0x0  }
0xa4: {  	s25 =	simm.s32 $0x1B8E;
	s24 =	sld [smem:$0x3FFE];
	[sflag:s23] =	ssyncadd.s32 $0xFFFFFFFF  }
0xa5: {  	s26 =	simm.s32 $execute0_lowered;
	[smem:$0x3FD2] =	sst s25  }
0xa6: {  	s4 =	sshll.u32 s26, $0x1;
	_ =	strace $0x80000046;
	[dreg:$0x1] =	wrdreg $0xFFFFFFFF  }
0xa7: {  	s28 =	simm.s32 $_size_execute0_lowered;
	s2 =	sadd.s32 s2, s4;
	[dreg:$0x0] =	wrdreg $0x0  }
0xa8: {  	s4 =	sshll.u32 s28, $0x1;
	[dreg:$0x2] =	wrdreg s2  }
0xa9: {  	[dreg:$0x3] =	wrdreg s4  }
0xaa: {  	[dreg:$0x4] =	wrdreg $0xC0  }
0xab: {  	_ =	task [dreg:s6], $0x5FFFF  }
0xac: {  	[dreg:$0x1] =	wrdreg $0xFFFFFFFF  }
0xad: {  	[dreg:$0x0] =	wrdreg $0x60  }
0xae: {  	[dreg:$0x2] =	wrdreg s24  }
0xaf: {  	[dreg:$0x3] =	wrdreg $0xA8000  }
0xb0: {  	[dreg:$0x4] =	wrdreg $0x9  }
0xb1: {  	_ =	task.clear_ibuf [dreg:s6], $0x5FFFF;
	_ =	strace $0x90000046  }
0xb2: {  	s29 =	simm.s32 $0x9;
	_ =	strace $0x80000048  }
0xb3: {  	_ =	swait.ge [sflag:s29], $0x1  }
0xb4: {  	[sflag:s29] =	ssyncadd.s32 $0xFFFFFFFF  }
0xb5: {  	_ =	strace $0x90000048  }
0xb6: {  	_ =	sfence  }
0xb7: {  	s30 =	sld [smem:$0x0];
	_ =	sdelay $0x2  }
0xb8: {  	s31 =	sshll.u32 s1, $0xD;
	s1 =	sshrl.u32 s1, $0x2  }
0xb9: {  	s3 =	sand.u32 $0x4000, s31;
	s1 =	sadd.s32 s1, s30  }
0xba: {  	s0 =	sor.u32 s3, s0;
	s1 =	sshll.u32 s1, $0x11  }
0xbb: {  	s0 =	sor.u32 s1, s0  }
0xbc: {  	s0 =	sadd.s32 $0x8F2B, s0  }
0xbd: {  	[sflag:s0] =	ssyncadd.remote.s32 $0x1  }
0xbe: {  	_ =	sfence.sel $0xFFFF  }
0xbf: {  	[dreg:$0x0] =	wrdreg $0xFFFFFFFF;
	(pc) =	sbr.abs _section_cstart, $3  }
0xc0: {  	[dreg:$0x1] =	wrdreg $0xFFFFFFFF  }
0xc1: {  	_ =	task.clear_ibuf [dreg:s6], $0x2FFFF;
	_ =	strace $0x9FFFFFFF  }
0xc2: {  	(tm) =	ssettm $0x7FFFFFFF  }
0xc3: {  	_ =	shalt  }
tec
execute0_lowered:
.L_overlay_start_1:
0x0: {  	(tag) =	ssettag $0x1  }
0x1: {  	s0 =	srdreg.scid;
	s5 =	rddreg [dreg:$0x0]  }
0x2: {  	s2 =	rddreg [dreg:$0x1];
	s3 =	simm.s32 $0x0;
	s4 =	sand.u32 $0x1, s0  }
0x3: {  	s13 =	simm.s32 $0x1;
	s0 =	stileid.u32;
	s7 =	smul.u32 $0x140000, s4  }
0x4: {  	s14 =	simm.s32 $0x80;
	s15 =	simm.s32 $0x6800;
	s8 =	smul.u32 $0x14000, s0  }
0x5: {  	[smem:$0x7FF] =	sst s3;
	s1 =	sshll.u32 s4, $0x4;
	s9 =	smul.u32 $0x50000, s0  }
0x6: {  	s29 =	ssub.s32 $0x2, s4;
	s16 =	sshll.u32 s0, $0x6;
	s1 =	sor.u32 s0, s1  }
0x7: {  	s31 =	sshrl.u32 s29, $0x1;
	s16 =	sor.u32 $0x1C01, s16;
	s6 =	smul.u32 $0x500, s1  }
0x8: {  	s1 =	rddreg [dreg:$0x2];
	_ =	strace $0x80000047;
	s30 =	sshrl.u32 s9, $0x2  }
0x9: {  	s28 =	sadd.s32 s8, s7;
	s12 =	ssub.s32 s29, s31;
	s4 =	sadd.s32 s30, s2  }
0xa: {  	s10 =	sadd.s32 s6, s5;
	s6 =	sshrl.u32 s28, $0x3;
	s7 =	sadd.s32 $0xC000, s4  }
0xb: {  	s8 =	sadd.s32 $0x10000, s4;
	s17 =	sshrl.u32 s4, $0x3;
	s11 =	sadd.s32 s6, s5  }
0xc: {  	v0 =	vimm.f32 $0.0e+00;
	vm0 =	vcmask $0x300;
	s5 =	sadd.s32 $0x4000, s4;
	s6 =	sadd.s32 $0x8000, s4;
	s9 =	sadd.s32 $0x2000, s10  }
0xd: {  	v1 =	vsel vm0, $0x3F800000, v0;
	s10 =	sadd.s32 $0xC000, s11;
	s11 =	smax.u32 s12, $0x1;
	s12 =	simm.s32 $0x2800  }
.LBB2_1:
0xe: {  	s18 =	simm.s32 $0x0;
	s19 =	simm.s32 $0x200  }
.LBB2_2:
0xf: {  	p0 =	sne.s32 s19, $0xFE00;
	[tilespmem:s18+$0x6870] =	vst v0  }
0x10: {  	[tilespmem:s18+$0x2800] =	vst v0  }
0x11: {  	[tilespmem:s18+$0x6800] =	vst v1  }
0x12: {  	[tilespmem:s18+$0x2810] =	vst v0  }
0x13: {  	[tilespmem:s18+$0x6810] =	vst v0  }
0x14: {  	[tilespmem:s18+$0x2820] =	vst v0  }
0x15: {  	[tilespmem:s18+$0x6820] =	vst v0  }
0x16: {  	[tilespmem:s18+$0x2830] =	vst v0  }
0x17: {  	[tilespmem:s18+$0x6830] =	vst v0  }
0x18: {  	[tilespmem:s18+$0x2840] =	vst v0  }
0x19: {  	[tilespmem:s18+$0x6840] =	vst v0  }
.Ltmp0:
0x1a: {  	[tilespmem:s18+$0x2850] =	vst v0;
	(pc) =	sbr.rel @p0 .LBB2_2-.Ltmp0, $4  }
0x1b: {  	[tilespmem:s18+$0x6850] =	vst v0  }
0x1c: {  	[tilespmem:s18+$0x2860] =	vst v0  }
0x1d: {  	[tilespmem:s18+$0x6860] =	vst v0  }
0x1e: {  	[tilespmem:s18+$0x2870] =	vst v0;
	s18 =	sshra.s32 s19, $0x2;
	s19 =	sadd.s32 $0x200, s19  }
0x1f: {  	[tilespmem:s18+$0x6870] =	vst v0  }
0x20: {  	[tilespmem:s18+$0x2800] =	vst v0  }
0x21: {  	[tilespmem:s18+$0x6800] =	vst v1  }
0x22: {  	[tilespmem:s18+$0x2810] =	vst v0  }
0x23: {  	[tilespmem:s18+$0x6810] =	vst v0  }
0x24: {  	[tilespmem:s18+$0x2820] =	vst v0  }
0x25: {  	[tilespmem:s18+$0x6820] =	vst v0  }
0x26: {  	[tilespmem:s18+$0x2830] =	vst v0  }
0x27: {  	[tilespmem:s18+$0x6830] =	vst v0  }
0x28: {  	[tilespmem:s18+$0x2840] =	vst v0  }
0x29: {  	[tilespmem:s18+$0x6840] =	vst v0  }
0x2a: {  	[tilespmem:s18+$0x2850] =	vst v0  }
0x2b: {  	[tilespmem:s18+$0x6850] =	vst v0  }
0x2c: {  	[tilespmem:s18+$0x2860] =	vst v0  }
0x2d: {  	[tilespmem:s18+$0x6860] =	vst v0  }
0x2e: {  	[tilespmem:s18+$0x2870] =	vst v0  }
0x2f: {  	[spmem:s4] =	stream.linear.scatter [tilespmem:s12], [sflag:$0x1], $0x4000, $0x38;
	[tilespmem:$0x1E800] =	vst v63  }
0x30: {  	_ =	swait.ge [sflag:s13], $0x4000  }
0x31: {  	[sflag:s13] =	ssyncset.done $0x0  }
0x32: {  	[sflag:s13] =	ssyncadd.s32 $0xFFFFC000  }
0x33: {  	[spmem:s5] =	stream.linear.scatter [tilespmem:s12], [sflag:$0x1], $0x4000, $0x38;
	[tilespmem:$0x1E800] =	vst v63  }
0x34: {  	_ =	swait.ge [sflag:s13], $0x4000  }
0x35: {  	[sflag:s13] =	ssyncset.done $0x0  }
0x36: {  	[sflag:s13] =	ssyncadd.s32 $0xFFFFC000  }
0x37: {  	[spmem:s6] =	stream.linear.scatter [tilespmem:s12], [sflag:$0x1], $0x4000, $0x38;
	[tilespmem:$0x1E800] =	vst v63  }
0x38: {  	_ =	swait.ge [sflag:s13], $0x4000  }
0x39: {  	[sflag:s13] =	ssyncset.done $0x0  }
0x3a: {  	[sflag:s13] =	ssyncadd.s32 $0xFFFFC000  }
0x3b: {  	[spmem:s7] =	stream.linear.scatter [tilespmem:s12], [sflag:$0x1], $0x4000, $0x38;
	[tilespmem:$0x1E800] =	vst v63  }
0x3c: {  	_ =	swait.ge [sflag:s13], $0x4000  }
0x3d: {  	[sflag:s13] =	ssyncset.done $0x0  }
0x3e: {  	[sflag:s13] =	ssyncadd.s32 $0xFFFFC000  }
0x3f: {  	[spmem:s8] =	stream.linear.scatter [tilespmem:s12], [sflag:$0x1], $0x4000, $0x38;
	[tilespmem:$0x1E800] =	vst v63  }
0x40: {  	_ =	swait.ge [sflag:s13], $0x4000  }
0x41: {  	[sflag:s13] =	ssyncset.done $0x0  }
0x42: {  	[sflag:s13] =	ssyncadd.s32 $0xFFFFC000  }
0x43: {  	s30 =	simm.s32 $0x0;
	[bflag:$0x0] =	sbarrier.arrive $0xFFFF  }
0x44: {  	[tilespmem:s30], [sflag:$0x1] =	stream.linear.gather [hbm4b:s9+s30], $0x2800, $0x38;
	[tilespmem:$0x1E800] =	vst v63  }
0x45: {  	_ =	swait.ge [sflag:s13], $0x2800  }
0x46: {  	[sflag:s13] =	ssyncset.done $0x0  }
0x47: {  	s31 =	simm.s32 $0x0;
	[sflag:s13] =	ssyncadd.s32 $0xFFFFD800  }
0x48: {  	[spmem:s2] =	stream.indirect.scatter.add.f32 [tilespmem:s15], [sflag:$0x1], $0x80, s31, s14, $0xb8;
	[tilespmem:$0x1E800] =	vst v63  }
0x49: {  	_ =	swait.ge [sflag:s13], $0x4000  }
0x4a: {  	s18 =	simm.s32 $0x200;
	[sflag:s13] =	ssyncset.done $0x0  }
.LBB2_4:
0x4b: {  	s19 =	sshra.s32 s18, $0x2;
	[sflag:s13] =	ssyncadd.s32 $0xFFFFC000;
	p0 =	sne.s32 s18, $0x9E00  }
0x4c: {  	[spmem:s2] =	stream.indirect.scatter.add.f32 [tilespmem:s15], [sflag:$0x1], $0x80, s19, s14, $0xb8;
	[tilespmem:$0x1E800] =	vst v63  }
.Ltmp1:
0x4d: {  	_ = 	snop;
	(pc) =	sbr.rel @p0 .LBB2_4-.Ltmp1, $4  }
0x4e: {  	_ = 	snop  }
0x4f: {  	s18 =	sadd.s32 $0x200, s18  }
0x50: {  	_ =	swait.ge [sflag:s13], $0x4000  }
0x51: {  	[sflag:s13] =	ssyncset.done $0x0  }
0x52: {  	s3 =	sadd.s32 $0x1, s3  }
0x53: {  	[sflag:s13] =	ssyncadd.s32 $0xFFFFC000;
	p0 =	sne.s32 s3, s11  }
.Ltmp2:
0x54: {  	[bflag:$0x0] =	sbarrier.arrive $0xFFFF;
	(pc) =	sbr.rel @p0 .LBB2_1-.Ltmp2, $4  }
0x55: {  	[hbm:s10], [sflag:s16] =	dma.local [spmem:s17], $0x2800  }
0x56: {  	_ =	swait.ge [sflag:s13], $0x2800  }
0x57: {  	[sflag:s13] =	ssyncset.done $0x0  }
0x58: {  	[sflag:s13] =	ssyncadd.s32 $0xFFFFD800  }
0x59: {  	_ =	sfence.sel $0x180000  }
0x5a: {  	[bflag:$0x0] =	sbarrier.arrive $0xFFFF  }
0x5b: {  	p0 =	sne.s32 s0, $0x0;
	_ =	strace $0x90000047  }
0x5c: {  	s0 =	sadd.s32 @!p0 $0x100000, s1;
	[bflag:$0x2] =	sbarrier.arrive $0xFFFF  }
0x5d: {  	[sflag:s0] =	ssyncadd.tile.s32 @!p0 $0x1;
	_ =	shalt  }
.Lfunc_end2:
_tile_overlayer_lowered:
.L_overlay_start_2:
0x5e: {  	(tag) =	ssettag $0x2  }
0x5f: {  	s0 =	rddreg [dreg:$0x0];
	s2 =	stileid.u32  }
0x60: {  	s1 =	rddreg [dreg:$0x1];
	p0 =	sne.s32 s2, $0x0  }
0x61: {  	s3 =	rddreg [dreg:$0x2];
	[bflag:$0x3] =	sbarrier.arrive $0xFFFF;
	s2 =	simm.s32 @!p0 $0x1C01  }
0x62: {  	[timem:s3], [sflag:s2] =	dma.local @!p0 [hbm:s0], s1  }
0x63: {  	s0 =	simm.s32 @!p0 $0x1  }
0x64: {  	_ =	swait.ge @!p0 [sflag:s0], s1  }
0x65: {  	s1 =	ssub.s32 @!p0 $0x0, s1;
	[sflag:s0] =	ssyncset.done @!p0 $0x0  }
0x66: {  	[sflag:s0] =	ssyncadd.s32 @!p0 s1  }
0x67: {  	[bflag:$0x3] =	sbarrier.arrive $0xFFFF  }
0x68: {  	_ =	shalt  }

</sc_bundles>
